<compile_context>
chip_gen: v7x
topology: tpu7x:2x2x1
jax: 0.10.2.dev20260603
libtpu: 0.0.44.dev20260713+nightly
codegen_flags: <defaults>
</compile_context>

<pallas_src>
import functools

import jax
import jax.numpy as jnp
from jax import lax
from jax.experimental import pallas as pl
from jax.experimental.pallas import tpu as pltpu
from jax.experimental.pallas import tpu_sc as plsc

B = 4096
L = 200
D = 64
C = 2
V = 1000000

NC = 2
NS = 16
NW = NC * NS
BPW = B // NW
NBUF = 4

VP = 1 << 20
TBLK = 32768
TGRID = VP // TBLK
VPS = VP // NS


def _tc_project_body(w_ref, t_ref, o_ref):
    p = lax.dot_general(
        w_ref[...], t_ref[...], (((1,), (0,)), ((), ())),
        preferred_element_type=jnp.float32) * (1.0 / L)
    u0 = lax.bitcast_convert_type(
        p[0, :].astype(jnp.bfloat16), jnp.uint16).astype(jnp.uint32)
    u1 = lax.bitcast_convert_type(
        p[1, :].astype(jnp.bfloat16), jnp.uint16).astype(jnp.uint32)
    o_ref[...] = lax.bitcast_convert_type(u0 | (u1 << 16), jnp.float32)


_tc_project = pl.pallas_call(
    _tc_project_body,
    grid=(TGRID,),
    in_specs=[pl.BlockSpec((C, D), lambda i: (0, 0)),
              pl.BlockSpec((D, TBLK), lambda i: (0, jnp.minimum(i, TGRID - 2)))],
    out_specs=pl.BlockSpec((TBLK,), lambda i: (i,)),
    out_shape=jax.ShapeDtypeStruct((VP,), jnp.float32),
)

_mesh = plsc.VectorSubcoreMesh(core_axis_name="c", subcore_axis_name="s")


@functools.partial(
    pl.kernel,
    out_type=jax.ShapeDtypeStruct((C, B), jnp.float32),
    mesh=_mesh,
    compiler_params=pltpu.CompilerParams(use_tc_tiling_on_sc=False),
    scratch_types=[
        pltpu.VMEM((L, BPW), jnp.int32),
        pltpu.VMEM((NBUF, BPW), jnp.float32),
        pltpu.VMEM((C, BPW), jnp.float32),
        pltpu.VMEM((C, 16), jnp.float32),
        pltpu.VMEM_SHARED((VP,), jnp.float32),
        pltpu.SemaphoreType.DMA,
        pltpu.SemaphoreType.DMA,
        pltpu.SemaphoreType.DMA,
        pltpu.SemaphoreType.DMA,
    ],
)
def _sc_pool(xt_hbm, tw_hbm, bb_hbm, out_hbm, idx_v, gbuf, out_v, b_v,
             tw_s, sem0, sem1, sem2, sem3):
    sems = (sem0, sem1, sem2, sem3)
    sid = lax.axis_index("s")
    wid = sid * NC + lax.axis_index("c")
    base = wid * BPW

    off = pl.multiple_of(sid * VPS, 8)
    c_tw = pltpu.async_copy(tw_hbm.at[pl.ds(off, VPS)], tw_s.at[pl.ds(off, VPS)], sem0)
    c_ix = pltpu.async_copy(xt_hbm.at[:, pl.ds(base, BPW)], idx_v, sem1)
    pltpu.sync_copy(bb_hbm, b_v)
    c_tw.wait()
    c_ix.wait()
    plsc.subcore_barrier()

    def fire(j, p):
        pltpu.async_copy(tw_s.at[idx_v.at[j]], gbuf.at[p], sems[p])

    def wait(p):
        pltpu.make_async_copy(tw_s.at[pl.ds(0, BPW)], gbuf.at[p],
                              sems[p]).wait()

    for p in range(NBUF - 1):
        fire(p, p)

    hi = jnp.uint32(0xFFFF0000)

    def outer(i, accs):
        accs = list(accs)
        for p in range(NBUF):
            j = NBUF * i + p
            wait(p)
            for g in range(8):
                v = lax.bitcast_convert_type(
                    gbuf[p, pl.ds(16 * g, 16)], jnp.uint32)
                accs[g] = accs[g] + lax.bitcast_convert_type(
                    v << 16, jnp.float32)
                accs[8 + g] = accs[8 + g] + lax.bitcast_convert_type(
                    v & hi, jnp.float32)

            @pl.when(j + NBUF - 1 < L)
            def _():
                fire(j + NBUF - 1, (p + NBUF - 1) % NBUF)
        return tuple(accs)

    accs = lax.fori_loop(
        0, L // NBUF, outer, (jnp.zeros((16,), jnp.float32),) * 16)

    for g in range(8):
        out_v[0, pl.ds(16 * g, 16)] = accs[g] + b_v[0, :]
        out_v[1, pl.ds(16 * g, 16)] = accs[8 + g] + b_v[1, :]
    pltpu.sync_copy(out_v, out_hbm.at[:, pl.ds(base, BPW)])


def kernel(x, table, W, b):
    tw = _tc_project(W, table.T)
    bb = jnp.tile(b[:, None], (1, 16))
    out2 = _sc_pool(x.T, tw, bb)
    return out2.T

# --- scband reference (transcript-rebuilt; emitter-appended) ---
"""Pipeline reference for scband-nbo-w-10170482557671 (READ-ONLY COPY).

The authoritative reference and input builder live on the scoring server;
editing this copy changes nothing except your own understanding.
"""

import jax, jax.numpy as jnp
import numpy as np

VOCAB = 1000000
EMBED_DIM = 64
NUM_CLASSES = 2
PAD_INDEX = 0
BATCH = 4096
SEQ = 200


def setup_inputs(seed: int = 0) -> dict:
    key = jax.random.key(seed)
    k_x, k_tab, k_w = jax.random.split(key, 3)
    x = jax.random.randint(k_x, (BATCH, SEQ), 0, VOCAB, dtype=jnp.int64 if jax.config.jax_enable_x64 else jnp.int32).astype(jnp.int32)
    table = jax.random.normal(k_tab, (VOCAB, EMBED_DIM), dtype=jnp.float32) * 0.02
    # padding_idx row is zero-initialized in nn.Embedding
    table = table.at[PAD_INDEX].set(0.0)
    W = jax.random.normal(k_w, (NUM_CLASSES, EMBED_DIM), dtype=jnp.float32) * 0.05
    b = jnp.zeros((NUM_CLASSES,), dtype=jnp.float32)
    return {"x": x, "table": table, "W": W, "b": b}


def reference(x, table, W, b):
    # embedding lookup (gather)
    emb = jnp.take(table, x, axis=0)           # [B, L, D]
    pooled = emb.mean(axis=1)                   # [B, D]
    preds = pooled @ W.T + b                    # [B, C]
    return preds

if __name__ == "__main__":
    import jax
    _d = setup_inputs()
    print(jax.jit(kernel)(*tuple(_d.values())))

</pallas_src>

<mosaic_0001>
#map = affine_map<(d0, d1) -> (0, 0)>
#map1 = affine_map<(d0, d1) -> (0)>
module attributes {stable_mosaic.version = 14 : i64} {
  func.func @_sc_pool(%arg0: i32, %arg1: i32, %arg2: memref<200x4096xi32, #tpu.memory_space<hbm>>, %arg3: memref<1048576xf32, #tpu.memory_space<hbm>>, %arg4: memref<2x16xf32, #tpu.memory_space<hbm>>, %arg5: memref<2x4096xf32, #tpu.memory_space<hbm>>, %arg6: memref<200x128xi32, #tpu.memory_space<vmem>>, %arg7: memref<4x128xf32, #tpu.memory_space<vmem>>, %arg8: memref<2x128xf32, #tpu.memory_space<vmem>>, %arg9: memref<2x16xf32, #tpu.memory_space<vmem>>, %arg10: memref<1048576xf32, #tpu.memory_space<vmem_shared>>, %arg11: memref<!tpu.dma_semaphore, #tpu.memory_space<semaphore_mem>>, %arg12: memref<!tpu.dma_semaphore, #tpu.memory_space<semaphore_mem>>, %arg13: memref<!tpu.dma_semaphore, #tpu.memory_space<semaphore_mem>>, %arg14: memref<!tpu.dma_semaphore, #tpu.memory_space<semaphore_mem>>) attributes {dimension_semantics = [#tpu.dimension_semantics<core_parallel>, #tpu.dimension_semantics<subcore_parallel>], iteration_bounds = array<i64: 2, 16>, scalar_prefetch = 0 : i64, scratch_operands = 9 : i64, tpu.core_type = #tpu.core_type<sc_vector_subcore>, window_params = [{transform_indices = #map}, {transform_indices = #map1}, {transform_indices = #map}, {transform_indices = #map}]} {
    %mul3A = arith.constant 2 : i32
    %mul3A_0 = arith.muli %arg1, %mul3A : i32
    %add3A = arith.addi %mul3A_0, %arg0 : i32
    %mul3A_1 = arith.constant 128 : i32
    %mul3A_2 = arith.muli %add3A, %mul3A_1 : i32
    %mul3A_3 = arith.constant 65536 : i32
    %mul3A_4 = arith.muli %arg1, %mul3A_3 : i32
    %multiple_of3A = tpu.assume_multiple %mul3A_4, 8 : i32
    %dma_start3A = tpu.memref_slice %arg10[%multiple_of3A] : memref<1048576xf32, #tpu.memory_space<vmem_shared>> -> memref<65536xf32, #tpu.memory_space<vmem_shared>>
    %dma_start3A_5 = tpu.memref_slice %arg3[%multiple_of3A] : memref<1048576xf32, #tpu.memory_space<hbm>> -> memref<65536xf32, #tpu.memory_space<hbm>>
    tpu.enqueue_dma source(%dma_start3A_5 : memref<65536xf32, #tpu.memory_space<hbm>>) target(%dma_start3A : memref<65536xf32, #tpu.memory_space<vmem_shared>>) target_semaphore(%arg11 : memref<!tpu.dma_semaphore, #tpu.memory_space<semaphore_mem>>)
    %dma_start3A_6 = arith.constant 0 : i32
    %dma_start3A_7 = tpu.memref_slice %arg2[%dma_start3A_6, %mul3A_2] : memref<200x4096xi32, #tpu.memory_space<hbm>> -> memref<200x128xi32, #tpu.memory_space<hbm>>
    %dma_start3A_8 = arith.constant 0 : i32
    %dma_start3A_9 = tpu.memref_slice %arg2[%dma_start3A_8, %mul3A_2] : memref<200x4096xi32, #tpu.memory_space<hbm>> -> memref<200x128xi32, #tpu.memory_space<hbm>>
    tpu.enqueue_dma source(%dma_start3A_9 : memref<200x128xi32, #tpu.memory_space<hbm>>) target(%arg6 : memref<200x128xi32, #tpu.memory_space<vmem>>) target_semaphore(%arg12 : memref<!tpu.dma_semaphore, #tpu.memory_space<semaphore_mem>>)
    "tpu.region"() ({
      %run_scoped3A = tpu.sem_alloc : memref<!tpu.dma_semaphore, #tpu.memory_space<semaphore_mem>>
      tpu.enqueue_dma source(%arg4 : memref<2x16xf32, #tpu.memory_space<hbm>>) target(%arg9 : memref<2x16xf32, #tpu.memory_space<vmem>>) target_semaphore(%run_scoped3A : memref<!tpu.dma_semaphore, #tpu.memory_space<semaphore_mem>>)
      tpu.wait_dma2 semaphore(%run_scoped3A : memref<!tpu.dma_semaphore, #tpu.memory_space<semaphore_mem>>) src(%arg4 : memref<2x16xf32, #tpu.memory_space<hbm>>) dst(%arg9 : memref<2x16xf32, #tpu.memory_space<vmem>>)
      tpu.yield
    }) : () -> ()
    %dma_wait3A = tpu.memref_slice %arg10[%multiple_of3A] : memref<1048576xf32, #tpu.memory_space<vmem_shared>> -> memref<65536xf32, #tpu.memory_space<vmem_shared>>
    %dma_wait3A_10 = tpu.memref_slice %arg3[%multiple_of3A] : memref<1048576xf32, #tpu.memory_space<hbm>> -> memref<65536xf32, #tpu.memory_space<hbm>>
    tpu.wait_dma2 semaphore(%arg11 : memref<!tpu.dma_semaphore, #tpu.memory_space<semaphore_mem>>) src(%dma_wait3A_10 : memref<65536xf32, #tpu.memory_space<hbm>>) dst(%dma_wait3A : memref<65536xf32, #tpu.memory_space<vmem_shared>>)
    %dma_wait3A_11 = arith.constant 0 : i32
    %dma_wait3A_12 = tpu.memref_slice %arg2[%dma_wait3A_11, %mul3A_2] : memref<200x4096xi32, #tpu.memory_space<hbm>> -> memref<200x128xi32, #tpu.memory_space<hbm>>
    %dma_wait3A_13 = arith.constant 0 : i32
    %dma_wait3A_14 = tpu.memref_slice %arg2[%dma_wait3A_13, %mul3A_2] : memref<200x4096xi32, #tpu.memory_space<hbm>> -> memref<200x128xi32, #tpu.memory_space<hbm>>
    tpu.wait_dma2 semaphore(%arg12 : memref<!tpu.dma_semaphore, #tpu.memory_space<semaphore_mem>>) src(%dma_wait3A_14 : memref<200x128xi32, #tpu.memory_space<hbm>>) dst(%arg6 : memref<200x128xi32, #tpu.memory_space<vmem>>)
    %barrier3A = arith.constant 0 : index
    tpu.barrier barrier_id(%barrier3A)
    %dma_start3A_15 = arith.constant 0 : i32
    %dma_start3A_16 = arith.constant 0 : i32
    %dma_start3A_17 = arith.constant 0 : i32
    %dma_start3A_18 = tpu.memref_slice %arg7[%dma_start3A_16, %dma_start3A_17] : memref<4x128xf32, #tpu.memory_space<vmem>> -> memref<1x128xf32, #tpu.memory_space<vmem>>
    %dma_start3A_19 = tpu.memref_squeeze %dma_start3A_18 : memref<1x128xf32, #tpu.memory_space<vmem>> -> memref<128xf32, #tpu.memory_space<vmem>>
    %dma_start3A_20 = arith.constant 0 : i32
    %dma_start3A_21 = tpu.memref_slice %arg6[%dma_start3A_15, %dma_start3A_20] : memref<200x128xi32, #tpu.memory_space<vmem>> -> memref<1x128xi32, #tpu.memory_space<vmem>>
    %dma_start3A_22 = tpu.memref_squeeze %dma_start3A_21 : memref<1x128xi32, #tpu.memory_space<vmem>> -> memref<128xi32, #tpu.memory_space<vmem>>
    %dma_start3A_23 = arith.constant 0 : i32
    %dma_start3A_24 = tpu.memref_slice %arg10[%dma_start3A_23] : memref<1048576xf32, #tpu.memory_space<vmem_shared>> -> memref<1048576xf32, #tpu.memory_space<vmem_shared>>
    tpu.enqueue_indirect_dma source(%dma_start3A_24 : memref<1048576xf32, #tpu.memory_space<vmem_shared>>) target(%dma_start3A_19 : memref<128xf32, #tpu.memory_space<vmem>>) offsets(%dma_start3A_22 : memref<128xi32, #tpu.memory_space<vmem>>) semaphore(%arg11 : memref<!tpu.dma_semaphore, #tpu.memory_space<semaphore_mem>>)
    %dma_start3A_25 = arith.constant 1 : i32
    %dma_start3A_26 = arith.constant 1 : i32
    %dma_start3A_27 = arith.constant 0 : i32
    %dma_start3A_28 = tpu.memref_slice %arg7[%dma_start3A_26, %dma_start3A_27] : memref<4x128xf32, #tpu.memory_space<vmem>> -> memref<1x128xf32, #tpu.memory_space<vmem>>
    %dma_start3A_29 = tpu.memref_squeeze %dma_start3A_28 : memref<1x128xf32, #tpu.memory_space<vmem>> -> memref<128xf32, #tpu.memory_space<vmem>>
    %dma_start3A_30 = arith.constant 0 : i32
    %dma_start3A_31 = tpu.memref_slice %arg6[%dma_start3A_25, %dma_start3A_30] : memref<200x128xi32, #tpu.memory_space<vmem>> -> memref<1x128xi32, #tpu.memory_space<vmem>>
    %dma_start3A_32 = tpu.memref_squeeze %dma_start3A_31 : memref<1x128xi32, #tpu.memory_space<vmem>> -> memref<128xi32, #tpu.memory_space<vmem>>
    %dma_start3A_33 = arith.constant 0 : i32
    %dma_start3A_34 = tpu.memref_slice %arg10[%dma_start3A_33] : memref<1048576xf32, #tpu.memory_space<vmem_shared>> -> memref<1048576xf32, #tpu.memory_space<vmem_shared>>
    tpu.enqueue_indirect_dma source(%dma_start3A_34 : memref<1048576xf32, #tpu.memory_space<vmem_shared>>) target(%dma_start3A_29 : memref<128xf32, #tpu.memory_space<vmem>>) offsets(%dma_start3A_32 : memref<128xi32, #tpu.memory_space<vmem>>) semaphore(%arg12 : memref<!tpu.dma_semaphore, #tpu.memory_space<semaphore_mem>>)
    %dma_start3A_35 = arith.constant 2 : i32
    %dma_start3A_36 = arith.constant 2 : i32
    %dma_start3A_37 = arith.constant 0 : i32
    %dma_start3A_38 = tpu.memref_slice %arg7[%dma_start3A_36, %dma_start3A_37] : memref<4x128xf32, #tpu.memory_space<vmem>> -> memref<1x128xf32, #tpu.memory_space<vmem>>
    %dma_start3A_39 = tpu.memref_squeeze %dma_start3A_38 : memref<1x128xf32, #tpu.memory_space<vmem>> -> memref<128xf32, #tpu.memory_space<vmem>>
    %dma_start3A_40 = arith.constant 0 : i32
    %dma_start3A_41 = tpu.memref_slice %arg6[%dma_start3A_35, %dma_start3A_40] : memref<200x128xi32, #tpu.memory_space<vmem>> -> memref<1x128xi32, #tpu.memory_space<vmem>>
    %dma_start3A_42 = tpu.memref_squeeze %dma_start3A_41 : memref<1x128xi32, #tpu.memory_space<vmem>> -> memref<128xi32, #tpu.memory_space<vmem>>
    %dma_start3A_43 = arith.constant 0 : i32
    %dma_start3A_44 = tpu.memref_slice %arg10[%dma_start3A_43] : memref<1048576xf32, #tpu.memory_space<vmem_shared>> -> memref<1048576xf32, #tpu.memory_space<vmem_shared>>
    tpu.enqueue_indirect_dma source(%dma_start3A_44 : memref<1048576xf32, #tpu.memory_space<vmem_shared>>) target(%dma_start3A_39 : memref<128xf32, #tpu.memory_space<vmem>>) offsets(%dma_start3A_42 : memref<128xi32, #tpu.memory_space<vmem>>) semaphore(%arg13 : memref<!tpu.dma_semaphore, #tpu.memory_space<semaphore_mem>>)
    %broadcast_in_dim3A = arith.constant 0.000000e+00 : f32
    %broadcast_in_dim3A_45 = vector.broadcast %broadcast_in_dim3A : f32 to vector<16xf32>
    %scan3A = arith.constant -65536 : i32
    %scan3A_46 = arith.constant 0 : i32
    %scan3A_47 = arith.constant 50 : i32
    %scan3A_48 = arith.addi %scan3A_46, %scan3A_47 : i32
    %scan3A_49 = arith.constant 1 : i32
    %scan3A_50:16 = scf.for %scan3A_242 = %scan3A_46 to %scan3A_48 step %scan3A_49 iter_args(%scan3A_243 = %broadcast_in_dim3A_45, %scan3A_244 = %broadcast_in_dim3A_45, %scan3A_245 = %broadcast_in_dim3A_45, %scan3A_246 = %broadcast_in_dim3A_45, %scan3A_247 = %broadcast_in_dim3A_45, %scan3A_248 = %broadcast_in_dim3A_45, %scan3A_249 = %broadcast_in_dim3A_45, %scan3A_250 = %broadcast_in_dim3A_45, %scan3A_251 = %broadcast_in_dim3A_45, %scan3A_252 = %broadcast_in_dim3A_45, %scan3A_253 = %broadcast_in_dim3A_45, %scan3A_254 = %broadcast_in_dim3A_45, %scan3A_255 = %broadcast_in_dim3A_45, %scan3A_256 = %broadcast_in_dim3A_45, %scan3A_257 = %broadcast_in_dim3A_45, %scan3A_258 = %broadcast_in_dim3A_45) -> (vector<16xf32>, vector<16xf32>, vector<16xf32>, vector<16xf32>, vector<16xf32>, vector<16xf32>, vector<16xf32>, vector<16xf32>, vector<16xf32>, vector<16xf32>, vector<16xf32>, vector<16xf32>, vector<16xf32>, vector<16xf32>, vector<16xf32>, vector<16xf32>)  : i32 {
      %mul3A_259 = arith.constant 4 : i32
      %mul3A_260 = arith.muli %mul3A_259, %scan3A_242 : i32
      %add3A_261 = arith.constant 0 : i32
      %add3A_262 = arith.addi %mul3A_260, %add3A_261 : i32
      %dma_wait3A_263 = arith.constant 0 : i32
      %dma_wait3A_264 = arith.constant 0 : i32
      %dma_wait3A_265 = tpu.memref_slice %arg7[%dma_wait3A_263, %dma_wait3A_264] : memref<4x128xf32, #tpu.memory_space<vmem>> -> memref<1x128xf32, #tpu.memory_space<vmem>>
      %dma_wait3A_266 = tpu.memref_squeeze %dma_wait3A_265 : memref<1x128xf32, #tpu.memory_space<vmem>> -> memref<128xf32, #tpu.memory_space<vmem>>
      %dma_wait3A_267 = arith.constant 0 : i32
      %dma_wait3A_268 = tpu.memref_slice %arg10[%dma_wait3A_267] : memref<1048576xf32, #tpu.memory_space<vmem_shared>> -> memref<128xf32, #tpu.memory_space<vmem_shared>>
      %dma_wait3A_269 = arith.constant 0 : i32
      %dma_wait3A_270 = tpu.memref_slice %arg7[%dma_wait3A_263, %dma_wait3A_269] : memref<4x128xf32, #tpu.memory_space<vmem>> -> memref<1x128xf32, #tpu.memory_space<vmem>>
      %dma_wait3A_271 = tpu.memref_squeeze %dma_wait3A_270 : memref<1x128xf32, #tpu.memory_space<vmem>> -> memref<128xf32, #tpu.memory_space<vmem>>
      %dma_wait3A_272 = arith.constant 0 : i32
      %dma_wait3A_273 = tpu.memref_slice %arg10[%dma_wait3A_272] : memref<1048576xf32, #tpu.memory_space<vmem_shared>> -> memref<128xf32, #tpu.memory_space<vmem_shared>>
      tpu.wait_dma2 semaphore(%arg11 : memref<!tpu.dma_semaphore, #tpu.memory_space<semaphore_mem>>) src(%dma_wait3A_273 : memref<128xf32, #tpu.memory_space<vmem_shared>>) dst(%dma_wait3A_271 : memref<128xf32, #tpu.memory_space<vmem>>)
      %get3A_274 = arith.constant 0 : i32
      %get3A_275 = arith.index_cast %get3A_274 : i32 to index
      %get3A_276 = arith.constant 0 : index
      %get3A_277 = tpu.vector_load %arg7[%get3A_275, %get3A_276] {strides = array<i32>} : memref<4x128xf32, #tpu.memory_space<vmem>>, vector<1x16xf32>,
      %get3A_278 = vector.shape_cast %get3A_277 : vector<1x16xf32> to vector<16xf32>
      %bitcast_convert_type3A = tpu.bitcast %get3A_278 : vector<16xf32> -> vector<16xi32>
      %shift_left3A = arith.constant 16 : i32
      %shift_left3A_279 = vector.broadcast %shift_left3A : i32 to vector<16xi32>
      %shift_left3A_280 = arith.shli %bitcast_convert_type3A, %shift_left3A_279 : vector<16xi32>
      %bitcast_convert_type3A_281 = tpu.bitcast %shift_left3A_280 : vector<16xi32> -> vector<16xf32>
      %add3A_282 = arith.addf %scan3A_243, %bitcast_convert_type3A_281 : vector<16xf32>
      %and3A = vector.broadcast %scan3A : i32 to vector<16xi32>
      %and3A_283 = arith.andi %bitcast_convert_type3A, %and3A : vector<16xi32>
      %bitcast_convert_type3A_284 = tpu.bitcast %and3A_283 : vector<16xi32> -> vector<16xf32>
      %add3A_285 = arith.addf %scan3A_251, %bitcast_convert_type3A_284 : vector<16xf32>
      %get3A_286 = arith.constant 0 : i32
      %get3A_287 = arith.index_cast %get3A_286 : i32 to index
      %get3A_288 = arith.constant 16 : index
      %get3A_289 = tpu.vector_load %arg7[%get3A_287, %get3A_288] {strides = array<i32>} : memref<4x128xf32, #tpu.memory_space<vmem>>, vector<1x16xf32>,
      %get3A_290 = vector.shape_cast %get3A_289 : vector<1x16xf32> to vector<16xf32>
      %bitcast_convert_type3A_291 = tpu.bitcast %get3A_290 : vector<16xf32> -> vector<16xi32>
      %shift_left3A_292 = arith.constant 16 : i32
      %shift_left3A_293 = vector.broadcast %shift_left3A_292 : i32 to vector<16xi32>
      %shift_left3A_294 = arith.shli %bitcast_convert_type3A_291, %shift_left3A_293 : vector<16xi32>
      %bitcast_convert_type3A_295 = tpu.bitcast %shift_left3A_294 : vector<16xi32> -> vector<16xf32>
      %add3A_296 = arith.addf %scan3A_244, %bitcast_convert_type3A_295 : vector<16xf32>
      %and3A_297 = vector.broadcast %scan3A : i32 to vector<16xi32>
      %and3A_298 = arith.andi %bitcast_convert_type3A_291, %and3A_297 : vector<16xi32>
      %bitcast_convert_type3A_299 = tpu.bitcast %and3A_298 : vector<16xi32> -> vector<16xf32>
      %add3A_300 = arith.addf %scan3A_252, %bitcast_convert_type3A_299 : vector<16xf32>
      %get3A_301 = arith.constant 0 : i32
      %get3A_302 = arith.index_cast %get3A_301 : i32 to index
      %get3A_303 = arith.constant 32 : index
      %get3A_304 = tpu.vector_load %arg7[%get3A_302, %get3A_303] {strides = array<i32>} : memref<4x128xf32, #tpu.memory_space<vmem>>, vector<1x16xf32>,
      %get3A_305 = vector.shape_cast %get3A_304 : vector<1x16xf32> to vector<16xf32>
      %bitcast_convert_type3A_306 = tpu.bitcast %get3A_305 : vector<16xf32> -> vector<16xi32>
      %shift_left3A_307 = arith.constant 16 : i32
      %shift_left3A_308 = vector.broadcast %shift_left3A_307 : i32 to vector<16xi32>
      %shift_left3A_309 = arith.shli %bitcast_convert_type3A_306, %shift_left3A_308 : vector<16xi32>
      %bitcast_convert_type3A_310 = tpu.bitcast %shift_left3A_309 : vector<16xi32> -> vector<16xf32>
      %add3A_311 = arith.addf %scan3A_245, %bitcast_convert_type3A_310 : vector<16xf32>
      %and3A_312 = vector.broadcast %scan3A : i32 to vector<16xi32>
      %and3A_313 = arith.andi %bitcast_convert_type3A_306, %and3A_312 : vector<16xi32>
      %bitcast_convert_type3A_314 = tpu.bitcast %and3A_313 : vector<16xi32> -> vector<16xf32>
      %add3A_315 = arith.addf %scan3A_253, %bitcast_convert_type3A_314 : vector<16xf32>
      %get3A_316 = arith.constant 0 : i32
      %get3A_317 = arith.index_cast %get3A_316 : i32 to index
      %get3A_318 = arith.constant 48 : index
      %get3A_319 = tpu.vector_load %arg7[%get3A_317, %get3A_318] {strides = array<i32>} : memref<4x128xf32, #tpu.memory_space<vmem>>, vector<1x16xf32>,
      %get3A_320 = vector.shape_cast %get3A_319 : vector<1x16xf32> to vector<16xf32>
      %bitcast_convert_type3A_321 = tpu.bitcast %get3A_320 : vector<16xf32> -> vector<16xi32>
      %shift_left3A_322 = arith.constant 16 : i32
      %shift_left3A_323 = vector.broadcast %shift_left3A_322 : i32 to vector<16xi32>
      %shift_left3A_324 = arith.shli %bitcast_convert_type3A_321, %shift_left3A_323 : vector<16xi32>
      %bitcast_convert_type3A_325 = tpu.bitcast %shift_left3A_324 : vector<16xi32> -> vector<16xf32>
      %add3A_326 = arith.addf %scan3A_246, %bitcast_convert_type3A_325 : vector<16xf32>
      %and3A_327 = vector.broadcast %scan3A : i32 to vector<16xi32>
      %and3A_328 = arith.andi %bitcast_convert_type3A_321, %and3A_327 : vector<16xi32>
      %bitcast_convert_type3A_329 = tpu.bitcast %and3A_328 : vector<16xi32> -> vector<16xf32>
      %add3A_330 = arith.addf %scan3A_254, %bitcast_convert_type3A_329 : vector<16xf32>
      %get3A_331 = arith.constant 0 : i32
      %get3A_332 = arith.index_cast %get3A_331 : i32 to index
      %get3A_333 = arith.constant 64 : index
      %get3A_334 = tpu.vector_load %arg7[%get3A_332, %get3A_333] {strides = array<i32>} : memref<4x128xf32, #tpu.memory_space<vmem>>, vector<1x16xf32>,
      %get3A_335 = vector.shape_cast %get3A_334 : vector<1x16xf32> to vector<16xf32>
      %bitcast_convert_type3A_336 = tpu.bitcast %get3A_335 : vector<16xf32> -> vector<16xi32>
      %shift_left3A_337 = arith.constant 16 : i32
      %shift_left3A_338 = vector.broadcast %shift_left3A_337 : i32 to vector<16xi32>
      %shift_left3A_339 = arith.shli %bitcast_convert_type3A_336, %shift_left3A_338 : vector<16xi32>
      %bitcast_convert_type3A_340 = tpu.bitcast %shift_left3A_339 : vector<16xi32> -> vector<16xf32>
      %add3A_341 = arith.addf %scan3A_247, %bitcast_convert_type3A_340 : vector<16xf32>
      %and3A_342 = vector.broadcast %scan3A : i32 to vector<16xi32>
      %and3A_343 = arith.andi %bitcast_convert_type3A_336, %and3A_342 : vector<16xi32>
      %bitcast_convert_type3A_344 = tpu.bitcast %and3A_343 : vector<16xi32> -> vector<16xf32>
      %add3A_345 = arith.addf %scan3A_255, %bitcast_convert_type3A_344 : vector<16xf32>
      %get3A_346 = arith.constant 0 : i32
      %get3A_347 = arith.index_cast %get3A_346 : i32 to index
      %get3A_348 = arith.constant 80 : index
      %get3A_349 = tpu.vector_load %arg7[%get3A_347, %get3A_348] {strides = array<i32>} : memref<4x128xf32, #tpu.memory_space<vmem>>, vector<1x16xf32>,
      %get3A_350 = vector.shape_cast %get3A_349 : vector<1x16xf32> to vector<16xf32>
      %bitcast_convert_type3A_351 = tpu.bitcast %get3A_350 : vector<16xf32> -> vector<16xi32>
      %shift_left3A_352 = arith.constant 16 : i32
      %shift_left3A_353 = vector.broadcast %shift_left3A_352 : i32 to vector<16xi32>
      %shift_left3A_354 = arith.shli %bitcast_convert_type3A_351, %shift_left3A_353 : vector<16xi32>
      %bitcast_convert_type3A_355 = tpu.bitcast %shift_left3A_354 : vector<16xi32> -> vector<16xf32>
      %add3A_356 = arith.addf %scan3A_248, %bitcast_convert_type3A_355 : vector<16xf32>
      %and3A_357 = vector.broadcast %scan3A : i32 to vector<16xi32>
      %and3A_358 = arith.andi %bitcast_convert_type3A_351, %and3A_357 : vector<16xi32>
      %bitcast_convert_type3A_359 = tpu.bitcast %and3A_358 : vector<16xi32> -> vector<16xf32>
      %add3A_360 = arith.addf %scan3A_256, %bitcast_convert_type3A_359 : vector<16xf32>
      %get3A_361 = arith.constant 0 : i32
      %get3A_362 = arith.index_cast %get3A_361 : i32 to index
      %get3A_363 = arith.constant 96 : index
      %get3A_364 = tpu.vector_load %arg7[%get3A_362, %get3A_363] {strides = array<i32>} : memref<4x128xf32, #tpu.memory_space<vmem>>, vector<1x16xf32>,
      %get3A_365 = vector.shape_cast %get3A_364 : vector<1x16xf32> to vector<16xf32>
      %bitcast_convert_type3A_366 = tpu.bitcast %get3A_365 : vector<16xf32> -> vector<16xi32>
      %shift_left3A_367 = arith.constant 16 : i32
      %shift_left3A_368 = vector.broadcast %shift_left3A_367 : i32 to vector<16xi32>
      %shift_left3A_369 = arith.shli %bitcast_convert_type3A_366, %shift_left3A_368 : vector<16xi32>
      %bitcast_convert_type3A_370 = tpu.bitcast %shift_left3A_369 : vector<16xi32> -> vector<16xf32>
      %add3A_371 = arith.addf %scan3A_249, %bitcast_convert_type3A_370 : vector<16xf32>
      %and3A_372 = vector.broadcast %scan3A : i32 to vector<16xi32>
      %and3A_373 = arith.andi %bitcast_convert_type3A_366, %and3A_372 : vector<16xi32>
      %bitcast_convert_type3A_374 = tpu.bitcast %and3A_373 : vector<16xi32> -> vector<16xf32>
      %add3A_375 = arith.addf %scan3A_257, %bitcast_convert_type3A_374 : vector<16xf32>
      %get3A_376 = arith.constant 0 : i32
      %get3A_377 = arith.index_cast %get3A_376 : i32 to index
      %get3A_378 = arith.constant 112 : index
      %get3A_379 = tpu.vector_load %arg7[%get3A_377, %get3A_378] {strides = array<i32>} : memref<4x128xf32, #tpu.memory_space<vmem>>, vector<1x16xf32>,
      %get3A_380 = vector.shape_cast %get3A_379 : vector<1x16xf32> to vector<16xf32>
      %bitcast_convert_type3A_381 = tpu.bitcast %get3A_380 : vector<16xf32> -> vector<16xi32>
      %shift_left3A_382 = arith.constant 16 : i32
      %shift_left3A_383 = vector.broadcast %shift_left3A_382 : i32 to vector<16xi32>
      %shift_left3A_384 = arith.shli %bitcast_convert_type3A_381, %shift_left3A_383 : vector<16xi32>
      %bitcast_convert_type3A_385 = tpu.bitcast %shift_left3A_384 : vector<16xi32> -> vector<16xf32>
      %add3A_386 = arith.addf %scan3A_250, %bitcast_convert_type3A_385 : vector<16xf32>
      %and3A_387 = vector.broadcast %scan3A : i32 to vector<16xi32>
      %and3A_388 = arith.andi %bitcast_convert_type3A_381, %and3A_387 : vector<16xi32>
      %bitcast_convert_type3A_389 = tpu.bitcast %and3A_388 : vector<16xi32> -> vector<16xf32>
      %add3A_390 = arith.addf %scan3A_258, %bitcast_convert_type3A_389 : vector<16xf32>
      %add3A_391 = arith.constant 4 : i32
      %add3A_392 = arith.addi %add3A_262, %add3A_391 : i32
      %sub3A = arith.constant 1 : i32
      %sub3A_393 = arith.subi %add3A_392, %sub3A : i32
      %lt3A = arith.constant 200 : i32
      %lt3A_394 = arith.cmpi slt, %sub3A_393, %lt3A : i32
      %convert_element_type3A = arith.extui %lt3A_394 : i1 to i32
      %cond3A = arith.constant 0 : i32
      %cond3A_395 = arith.cmpi ne, %convert_element_type3A, %cond3A : i32
      scf.if %cond3A_395 {
        %add3A_828 = arith.constant 4 : i32
        %add3A_829 = arith.addi %add3A_262, %add3A_828 : i32
        %sub3A_830 = arith.constant 1 : i32
        %sub3A_831 = arith.subi %add3A_829, %sub3A_830 : i32
        %dma_start3A_832 = arith.constant 3 : i32
        %dma_start3A_833 = arith.constant 0 : i32
        %dma_start3A_834 = tpu.memref_slice %arg7[%dma_start3A_832, %dma_start3A_833] : memref<4x128xf32, #tpu.memory_space<vmem>> -> memref<1x128xf32, #tpu.memory_space<vmem>>
        %dma_start3A_835 = tpu.memref_squeeze %dma_start3A_834 : memref<1x128xf32, #tpu.memory_space<vmem>> -> memref<128xf32, #tpu.memory_space<vmem>>
        %dma_start3A_836 = arith.constant 0 : i32
        %dma_start3A_837 = tpu.memref_slice %arg6[%sub3A_831, %dma_start3A_836] : memref<200x128xi32, #tpu.memory_space<vmem>> -> memref<1x128xi32, #tpu.memory_space<vmem>>
        %dma_start3A_838 = tpu.memref_squeeze %dma_start3A_837 : memref<1x128xi32, #tpu.memory_space<vmem>> -> memref<128xi32, #tpu.memory_space<vmem>>
        %dma_start3A_839 = arith.constant 0 : i32
        %dma_start3A_840 = tpu.memref_slice %arg10[%dma_start3A_839] : memref<1048576xf32, #tpu.memory_space<vmem_shared>> -> memref<1048576xf32, #tpu.memory_space<vmem_shared>>
        tpu.enqueue_indirect_dma source(%dma_start3A_840 : memref<1048576xf32, #tpu.memory_space<vmem_shared>>) target(%dma_start3A_835 : memref<128xf32, #tpu.memory_space<vmem>>) offsets(%dma_start3A_838 : memref<128xi32, #tpu.memory_space<vmem>>) semaphore(%arg14 : memref<!tpu.dma_semaphore, #tpu.memory_space<semaphore_mem>>)
      } else {
      }
      %mul3A_396 = arith.constant 4 : i32
      %mul3A_397 = arith.muli %mul3A_396, %scan3A_242 : i32
      %add3A_398 = arith.constant 1 : i32
      %add3A_399 = arith.addi %mul3A_397, %add3A_398 : i32
      %dma_wait3A_400 = arith.constant 1 : i32
      %dma_wait3A_401 = arith.constant 0 : i32
      %dma_wait3A_402 = tpu.memref_slice %arg7[%dma_wait3A_400, %dma_wait3A_401] : memref<4x128xf32, #tpu.memory_space<vmem>> -> memref<1x128xf32, #tpu.memory_space<vmem>>
      %dma_wait3A_403 = tpu.memref_squeeze %dma_wait3A_402 : memref<1x128xf32, #tpu.memory_space<vmem>> -> memref<128xf32, #tpu.memory_space<vmem>>
      %dma_wait3A_404 = arith.constant 0 : i32
      %dma_wait3A_405 = tpu.memref_slice %arg10[%dma_wait3A_404] : memref<1048576xf32, #tpu.memory_space<vmem_shared>> -> memref<128xf32, #tpu.memory_space<vmem_shared>>
      %dma_wait3A_406 = arith.constant 0 : i32
      %dma_wait3A_407 = tpu.memref_slice %arg7[%dma_wait3A_400, %dma_wait3A_406] : memref<4x128xf32, #tpu.memory_space<vmem>> -> memref<1x128xf32, #tpu.memory_space<vmem>>
      %dma_wait3A_408 = tpu.memref_squeeze %dma_wait3A_407 : memref<1x128xf32, #tpu.memory_space<vmem>> -> memref<128xf32, #tpu.memory_space<vmem>>
      %dma_wait3A_409 = arith.constant 0 : i32
      %dma_wait3A_410 = tpu.memref_slice %arg10[%dma_wait3A_409] : memref<1048576xf32, #tpu.memory_space<vmem_shared>> -> memref<128xf32, #tpu.memory_space<vmem_shared>>
      tpu.wait_dma2 semaphore(%arg12 : memref<!tpu.dma_semaphore, #tpu.memory_space<semaphore_mem>>) src(%dma_wait3A_410 : memref<128xf32, #tpu.memory_space<vmem_shared>>) dst(%dma_wait3A_408 : memref<128xf32, #tpu.memory_space<vmem>>)
      %get3A_411 = arith.constant 1 : i32
      %get3A_412 = arith.index_cast %get3A_411 : i32 to index
      %get3A_413 = arith.constant 0 : index
      %get3A_414 = tpu.vector_load %arg7[%get3A_412, %get3A_413] {strides = array<i32>} : memref<4x128xf32, #tpu.memory_space<vmem>>, vector<1x16xf32>,
      %get3A_415 = vector.shape_cast %get3A_414 : vector<1x16xf32> to vector<16xf32>
      %bitcast_convert_type3A_416 = tpu.bitcast %get3A_415 : vector<16xf32> -> vector<16xi32>
      %shift_left3A_417 = arith.constant 16 : i32
      %shift_left3A_418 = vector.broadcast %shift_left3A_417 : i32 to vector<16xi32>
      %shift_left3A_419 = arith.shli %bitcast_convert_type3A_416, %shift_left3A_418 : vector<16xi32>
      %bitcast_convert_type3A_420 = tpu.bitcast %shift_left3A_419 : vector<16xi32> -> vector<16xf32>
      %add3A_421 = arith.addf %add3A_282, %bitcast_convert_type3A_420 : vector<16xf32>
      %and3A_422 = vector.broadcast %scan3A : i32 to vector<16xi32>
      %and3A_423 = arith.andi %bitcast_convert_type3A_416, %and3A_422 : vector<16xi32>
      %bitcast_convert_type3A_424 = tpu.bitcast %and3A_423 : vector<16xi32> -> vector<16xf32>
      %add3A_425 = arith.addf %add3A_285, %bitcast_convert_type3A_424 : vector<16xf32>
      %get3A_426 = arith.constant 1 : i32
      %get3A_427 = arith.index_cast %get3A_426 : i32 to index
      %get3A_428 = arith.constant 16 : index
      %get3A_429 = tpu.vector_load %arg7[%get3A_427, %get3A_428] {strides = array<i32>} : memref<4x128xf32, #tpu.memory_space<vmem>>, vector<1x16xf32>,
      %get3A_430 = vector.shape_cast %get3A_429 : vector<1x16xf32> to vector<16xf32>
      %bitcast_convert_type3A_431 = tpu.bitcast %get3A_430 : vector<16xf32> -> vector<16xi32>
      %shift_left3A_432 = arith.constant 16 : i32
      %shift_left3A_433 = vector.broadcast %shift_left3A_432 : i32 to vector<16xi32>
      %shift_left3A_434 = arith.shli %bitcast_convert_type3A_431, %shift_left3A_433 : vector<16xi32>
      %bitcast_convert_type3A_435 = tpu.bitcast %shift_left3A_434 : vector<16xi32> -> vector<16xf32>
      %add3A_436 = arith.addf %add3A_296, %bitcast_convert_type3A_435 : vector<16xf32>
      %and3A_437 = vector.broadcast %scan3A : i32 to vector<16xi32>
      %and3A_438 = arith.andi %bitcast_convert_type3A_431, %and3A_437 : vector<16xi32>
      %bitcast_convert_type3A_439 = tpu.bitcast %and3A_438 : vector<16xi32> -> vector<16xf32>
      %add3A_440 = arith.addf %add3A_300, %bitcast_convert_type3A_439 : vector<16xf32>
      %get3A_441 = arith.constant 1 : i32
      %get3A_442 = arith.index_cast %get3A_441 : i32 to index
      %get3A_443 = arith.constant 32 : index
      %get3A_444 = tpu.vector_load %arg7[%get3A_442, %get3A_443] {strides = array<i32>} : memref<4x128xf32, #tpu.memory_space<vmem>>, vector<1x16xf32>,
      %get3A_445 = vector.shape_cast %get3A_444 : vector<1x16xf32> to vector<16xf32>
      %bitcast_convert_type3A_446 = tpu.bitcast %get3A_445 : vector<16xf32> -> vector<16xi32>
      %shift_left3A_447 = arith.constant 16 : i32
      %shift_left3A_448 = vector.broadcast %shift_left3A_447 : i32 to vector<16xi32>
      %shift_left3A_449 = arith.shli %bitcast_convert_type3A_446, %shift_left3A_448 : vector<16xi32>
      %bitcast_convert_type3A_450 = tpu.bitcast %shift_left3A_449 : vector<16xi32> -> vector<16xf32>
      %add3A_451 = arith.addf %add3A_311, %bitcast_convert_type3A_450 : vector<16xf32>
      %and3A_452 = vector.broadcast %scan3A : i32 to vector<16xi32>
      %and3A_453 = arith.andi %bitcast_convert_type3A_446, %and3A_452 : vector<16xi32>
      %bitcast_convert_type3A_454 = tpu.bitcast %and3A_453 : vector<16xi32> -> vector<16xf32>
      %add3A_455 = arith.addf %add3A_315, %bitcast_convert_type3A_454 : vector<16xf32>
      %get3A_456 = arith.constant 1 : i32
      %get3A_457 = arith.index_cast %get3A_456 : i32 to index
      %get3A_458 = arith.constant 48 : index
      %get3A_459 = tpu.vector_load %arg7[%get3A_457, %get3A_458] {strides = array<i32>} : memref<4x128xf32, #tpu.memory_space<vmem>>, vector<1x16xf32>,
      %get3A_460 = vector.shape_cast %get3A_459 : vector<1x16xf32> to vector<16xf32>
      %bitcast_convert_type3A_461 = tpu.bitcast %get3A_460 : vector<16xf32> -> vector<16xi32>
      %shift_left3A_462 = arith.constant 16 : i32
      %shift_left3A_463 = vector.broadcast %shift_left3A_462 : i32 to vector<16xi32>
      %shift_left3A_464 = arith.shli %bitcast_convert_type3A_461, %shift_left3A_463 : vector<16xi32>
      %bitcast_convert_type3A_465 = tpu.bitcast %shift_left3A_464 : vector<16xi32> -> vector<16xf32>
      %add3A_466 = arith.addf %add3A_326, %bitcast_convert_type3A_465 : vector<16xf32>
      %and3A_467 = vector.broadcast %scan3A : i32 to vector<16xi32>
      %and3A_468 = arith.andi %bitcast_convert_type3A_461, %and3A_467 : vector<16xi32>
      %bitcast_convert_type3A_469 = tpu.bitcast %and3A_468 : vector<16xi32> -> vector<16xf32>
      %add3A_470 = arith.addf %add3A_330, %bitcast_convert_type3A_469 : vector<16xf32>
      %get3A_471 = arith.constant 1 : i32
      %get3A_472 = arith.index_cast %get3A_471 : i32 to index
      %get3A_473 = arith.constant 64 : index
      %get3A_474 = tpu.vector_load %arg7[%get3A_472, %get3A_473] {strides = array<i32>} : memref<4x128xf32, #tpu.memory_space<vmem>>, vector<1x16xf32>,
      %get3A_475 = vector.shape_cast %get3A_474 : vector<1x16xf32> to vector<16xf32>
      %bitcast_convert_type3A_476 = tpu.bitcast %get3A_475 : vector<16xf32> -> vector<16xi32>
      %shift_left3A_477 = arith.constant 16 : i32
      %shift_left3A_478 = vector.broadcast %shift_left3A_477 : i32 to vector<16xi32>
      %shift_left3A_479 = arith.shli %bitcast_convert_type3A_476, %shift_left3A_478 : vector<16xi32>
      %bitcast_convert_type3A_480 = tpu.bitcast %shift_left3A_479 : vector<16xi32> -> vector<16xf32>
      %add3A_481 = arith.addf %add3A_341, %bitcast_convert_type3A_480 : vector<16xf32>
      %and3A_482 = vector.broadcast %scan3A : i32 to vector<16xi32>
      %and3A_483 = arith.andi %bitcast_convert_type3A_476, %and3A_482 : vector<16xi32>
      %bitcast_convert_type3A_484 = tpu.bitcast %and3A_483 : vector<16xi32> -> vector<16xf32>
      %add3A_485 = arith.addf %add3A_345, %bitcast_convert_type3A_484 : vector<16xf32>
      %get3A_486 = arith.constant 1 : i32
      %get3A_487 = arith.index_cast %get3A_486 : i32 to index
      %get3A_488 = arith.constant 80 : index
      %get3A_489 = tpu.vector_load %arg7[%get3A_487, %get3A_488] {strides = array<i32>} : memref<4x128xf32, #tpu.memory_space<vmem>>, vector<1x16xf32>,
      %get3A_490 = vector.shape_cast %get3A_489 : vector<1x16xf32> to vector<16xf32>
      %bitcast_convert_type3A_491 = tpu.bitcast %get3A_490 : vector<16xf32> -> vector<16xi32>
      %shift_left3A_492 = arith.constant 16 : i32
      %shift_left3A_493 = vector.broadcast %shift_left3A_492 : i32 to vector<16xi32>
      %shift_left3A_494 = arith.shli %bitcast_convert_type3A_491, %shift_left3A_493 : vector<16xi32>
      %bitcast_convert_type3A_495 = tpu.bitcast %shift_left3A_494 : vector<16xi32> -> vector<16xf32>
      %add3A_496 = arith.addf %add3A_356, %bitcast_convert_type3A_495 : vector<16xf32>
      %and3A_497 = vector.broadcast %scan3A : i32 to vector<16xi32>
      %and3A_498 = arith.andi %bitcast_convert_type3A_491, %and3A_497 : vector<16xi32>
      %bitcast_convert_type3A_499 = tpu.bitcast %and3A_498 : vector<16xi32> -> vector<16xf32>
      %add3A_500 = arith.addf %add3A_360, %bitcast_convert_type3A_499 : vector<16xf32>
      %get3A_501 = arith.constant 1 : i32
      %get3A_502 = arith.index_cast %get3A_501 : i32 to index
      %get3A_503 = arith.constant 96 : index
      %get3A_504 = tpu.vector_load %arg7[%get3A_502, %get3A_503] {strides = array<i32>} : memref<4x128xf32, #tpu.memory_space<vmem>>, vector<1x16xf32>,
      %get3A_505 = vector.shape_cast %get3A_504 : vector<1x16xf32> to vector<16xf32>
      %bitcast_convert_type3A_506 = tpu.bitcast %get3A_505 : vector<16xf32> -> vector<16xi32>
      %shift_left3A_507 = arith.constant 16 : i32
      %shift_left3A_508 = vector.broadcast %shift_left3A_507 : i32 to vector<16xi32>
      %shift_left3A_509 = arith.shli %bitcast_convert_type3A_506, %shift_left3A_508 : vector<16xi32>
      %bitcast_convert_type3A_510 = tpu.bitcast %shift_left3A_509 : vector<16xi32> -> vector<16xf32>
      %add3A_511 = arith.addf %add3A_371, %bitcast_convert_type3A_510 : vector<16xf32>
      %and3A_512 = vector.broadcast %scan3A : i32 to vector<16xi32>
      %and3A_513 = arith.andi %bitcast_convert_type3A_506, %and3A_512 : vector<16xi32>
      %bitcast_convert_type3A_514 = tpu.bitcast %and3A_513 : vector<16xi32> -> vector<16xf32>
      %add3A_515 = arith.addf %add3A_375, %bitcast_convert_type3A_514 : vector<16xf32>
      %get3A_516 = arith.constant 1 : i32
      %get3A_517 = arith.index_cast %get3A_516 : i32 to index
      %get3A_518 = arith.constant 112 : index
      %get3A_519 = tpu.vector_load %arg7[%get3A_517, %get3A_518] {strides = array<i32>} : memref<4x128xf32, #tpu.memory_space<vmem>>, vector<1x16xf32>,
      %get3A_520 = vector.shape_cast %get3A_519 : vector<1x16xf32> to vector<16xf32>
      %bitcast_convert_type3A_521 = tpu.bitcast %get3A_520 : vector<16xf32> -> vector<16xi32>
      %shift_left3A_522 = arith.constant 16 : i32
      %shift_left3A_523 = vector.broadcast %shift_left3A_522 : i32 to vector<16xi32>
      %shift_left3A_524 = arith.shli %bitcast_convert_type3A_521, %shift_left3A_523 : vector<16xi32>
      %bitcast_convert_type3A_525 = tpu.bitcast %shift_left3A_524 : vector<16xi32> -> vector<16xf32>
      %add3A_526 = arith.addf %add3A_386, %bitcast_convert_type3A_525 : vector<16xf32>
      %and3A_527 = vector.broadcast %scan3A : i32 to vector<16xi32>
      %and3A_528 = arith.andi %bitcast_convert_type3A_521, %and3A_527 : vector<16xi32>
      %bitcast_convert_type3A_529 = tpu.bitcast %and3A_528 : vector<16xi32> -> vector<16xf32>
      %add3A_530 = arith.addf %add3A_390, %bitcast_convert_type3A_529 : vector<16xf32>
      %add3A_531 = arith.constant 4 : i32
      %add3A_532 = arith.addi %add3A_399, %add3A_531 : i32
      %sub3A_533 = arith.constant 1 : i32
      %sub3A_534 = arith.subi %add3A_532, %sub3A_533 : i32
      %lt3A_535 = arith.constant 200 : i32
      %lt3A_536 = arith.cmpi slt, %sub3A_534, %lt3A_535 : i32
      %convert_element_type3A_537 = arith.extui %lt3A_536 : i1 to i32
      %cond3A_538 = arith.constant 0 : i32
      %cond3A_539 = arith.cmpi ne, %convert_element_type3A_537, %cond3A_538 : i32
      scf.if %cond3A_539 {
        %add3A_828 = arith.constant 4 : i32
        %add3A_829 = arith.addi %add3A_399, %add3A_828 : i32
        %sub3A_830 = arith.constant 1 : i32
        %sub3A_831 = arith.subi %add3A_829, %sub3A_830 : i32
        %dma_start3A_832 = arith.constant 0 : i32
        %dma_start3A_833 = arith.constant 0 : i32
        %dma_start3A_834 = tpu.memref_slice %arg7[%dma_start3A_832, %dma_start3A_833] : memref<4x128xf32, #tpu.memory_space<vmem>> -> memref<1x128xf32, #tpu.memory_space<vmem>>
        %dma_start3A_835 = tpu.memref_squeeze %dma_start3A_834 : memref<1x128xf32, #tpu.memory_space<vmem>> -> memref<128xf32, #tpu.memory_space<vmem>>
        %dma_start3A_836 = arith.constant 0 : i32
        %dma_start3A_837 = tpu.memref_slice %arg6[%sub3A_831, %dma_start3A_836] : memref<200x128xi32, #tpu.memory_space<vmem>> -> memref<1x128xi32, #tpu.memory_space<vmem>>
        %dma_start3A_838 = tpu.memref_squeeze %dma_start3A_837 : memref<1x128xi32, #tpu.memory_space<vmem>> -> memref<128xi32, #tpu.memory_space<vmem>>
        %dma_start3A_839 = arith.constant 0 : i32
        %dma_start3A_840 = tpu.memref_slice %arg10[%dma_start3A_839] : memref<1048576xf32, #tpu.memory_space<vmem_shared>> -> memref<1048576xf32, #tpu.memory_space<vmem_shared>>
        tpu.enqueue_indirect_dma source(%dma_start3A_840 : memref<1048576xf32, #tpu.memory_space<vmem_shared>>) target(%dma_start3A_835 : memref<128xf32, #tpu.memory_space<vmem>>) offsets(%dma_start3A_838 : memref<128xi32, #tpu.memory_space<vmem>>) semaphore(%arg11 : memref<!tpu.dma_semaphore, #tpu.memory_space<semaphore_mem>>)
      } else {
      }
      %mul3A_540 = arith.constant 4 : i32
      %mul3A_541 = arith.muli %mul3A_540, %scan3A_242 : i32
      %add3A_542 = arith.constant 2 : i32
      %add3A_543 = arith.addi %mul3A_541, %add3A_542 : i32
      %dma_wait3A_544 = arith.constant 2 : i32
      %dma_wait3A_545 = arith.constant 0 : i32
      %dma_wait3A_546 = tpu.memref_slice %arg7[%dma_wait3A_544, %dma_wait3A_545] : memref<4x128xf32, #tpu.memory_space<vmem>> -> memref<1x128xf32, #tpu.memory_space<vmem>>
      %dma_wait3A_547 = tpu.memref_squeeze %dma_wait3A_546 : memref<1x128xf32, #tpu.memory_space<vmem>> -> memref<128xf32, #tpu.memory_space<vmem>>
      %dma_wait3A_548 = arith.constant 0 : i32
      %dma_wait3A_549 = tpu.memref_slice %arg10[%dma_wait3A_548] : memref<1048576xf32, #tpu.memory_space<vmem_shared>> -> memref<128xf32, #tpu.memory_space<vmem_shared>>
      %dma_wait3A_550 = arith.constant 0 : i32
      %dma_wait3A_551 = tpu.memref_slice %arg7[%dma_wait3A_544, %dma_wait3A_550] : memref<4x128xf32, #tpu.memory_space<vmem>> -> memref<1x128xf32, #tpu.memory_space<vmem>>
      %dma_wait3A_552 = tpu.memref_squeeze %dma_wait3A_551 : memref<1x128xf32, #tpu.memory_space<vmem>> -> memref<128xf32, #tpu.memory_space<vmem>>
      %dma_wait3A_553 = arith.constant 0 : i32
      %dma_wait3A_554 = tpu.memref_slice %arg10[%dma_wait3A_553] : memref<1048576xf32, #tpu.memory_space<vmem_shared>> -> memref<128xf32, #tpu.memory_space<vmem_shared>>
      tpu.wait_dma2 semaphore(%arg13 : memref<!tpu.dma_semaphore, #tpu.memory_space<semaphore_mem>>) src(%dma_wait3A_554 : memref<128xf32, #tpu.memory_space<vmem_shared>>) dst(%dma_wait3A_552 : memref<128xf32, #tpu.memory_space<vmem>>)
      %get3A_555 = arith.constant 2 : i32
      %get3A_556 = arith.index_cast %get3A_555 : i32 to index
      %get3A_557 = arith.constant 0 : index
      %get3A_558 = tpu.vector_load %arg7[%get3A_556, %get3A_557] {strides = array<i32>} : memref<4x128xf32, #tpu.memory_space<vmem>>, vector<1x16xf32>,
      %get3A_559 = vector.shape_cast %get3A_558 : vector<1x16xf32> to vector<16xf32>
      %bitcast_convert_type3A_560 = tpu.bitcast %get3A_559 : vector<16xf32> -> vector<16xi32>
      %shift_left3A_561 = arith.constant 16 : i32
      %shift_left3A_562 = vector.broadcast %shift_left3A_561 : i32 to vector<16xi32>
      %shift_left3A_563 = arith.shli %bitcast_convert_type3A_560, %shift_left3A_562 : vector<16xi32>
      %bitcast_convert_type3A_564 = tpu.bitcast %shift_left3A_563 : vector<16xi32> -> vector<16xf32>
      %add3A_565 = arith.addf %add3A_421, %bitcast_convert_type3A_564 : vector<16xf32>
      %and3A_566 = vector.broadcast %scan3A : i32 to vector<16xi32>
      %and3A_567 = arith.andi %bitcast_convert_type3A_560, %and3A_566 : vector<16xi32>
      %bitcast_convert_type3A_568 = tpu.bitcast %and3A_567 : vector<16xi32> -> vector<16xf32>
      %add3A_569 = arith.addf %add3A_425, %bitcast_convert_type3A_568 : vector<16xf32>
      %get3A_570 = arith.constant 2 : i32
      %get3A_571 = arith.index_cast %get3A_570 : i32 to index
      %get3A_572 = arith.constant 16 : index
      %get3A_573 = tpu.vector_load %arg7[%get3A_571, %get3A_572] {strides = array<i32>} : memref<4x128xf32, #tpu.memory_space<vmem>>, vector<1x16xf32>,
      %get3A_574 = vector.shape_cast %get3A_573 : vector<1x16xf32> to vector<16xf32>
      %bitcast_convert_type3A_575 = tpu.bitcast %get3A_574 : vector<16xf32> -> vector<16xi32>
      %shift_left3A_576 = arith.constant 16 : i32
      %shift_left3A_577 = vector.broadcast %shift_left3A_576 : i32 to vector<16xi32>
      %shift_left3A_578 = arith.shli %bitcast_convert_type3A_575, %shift_left3A_577 : vector<16xi32>
      %bitcast_convert_type3A_579 = tpu.bitcast %shift_left3A_578 : vector<16xi32> -> vector<16xf32>
      %add3A_580 = arith.addf %add3A_436, %bitcast_convert_type3A_579 : vector<16xf32>
      %and3A_581 = vector.broadcast %scan3A : i32 to vector<16xi32>
      %and3A_582 = arith.andi %bitcast_convert_type3A_575, %and3A_581 : vector<16xi32>
      %bitcast_convert_type3A_583 = tpu.bitcast %and3A_582 : vector<16xi32> -> vector<16xf32>
      %add3A_584 = arith.addf %add3A_440, %bitcast_convert_type3A_583 : vector<16xf32>
      %get3A_585 = arith.constant 2 : i32
      %get3A_586 = arith.index_cast %get3A_585 : i32 to index
      %get3A_587 = arith.constant 32 : index
      %get3A_588 = tpu.vector_load %arg7[%get3A_586, %get3A_587] {strides = array<i32>} : memref<4x128xf32, #tpu.memory_space<vmem>>, vector<1x16xf32>,
      %get3A_589 = vector.shape_cast %get3A_588 : vector<1x16xf32> to vector<16xf32>
      %bitcast_convert_type3A_590 = tpu.bitcast %get3A_589 : vector<16xf32> -> vector<16xi32>
      %shift_left3A_591 = arith.constant 16 : i32
      %shift_left3A_592 = vector.broadcast %shift_left3A_591 : i32 to vector<16xi32>
      %shift_left3A_593 = arith.shli %bitcast_convert_type3A_590, %shift_left3A_592 : vector<16xi32>
      %bitcast_convert_type3A_594 = tpu.bitcast %shift_left3A_593 : vector<16xi32> -> vector<16xf32>
      %add3A_595 = arith.addf %add3A_451, %bitcast_convert_type3A_594 : vector<16xf32>
      %and3A_596 = vector.broadcast %scan3A : i32 to vector<16xi32>
      %and3A_597 = arith.andi %bitcast_convert_type3A_590, %and3A_596 : vector<16xi32>
      %bitcast_convert_type3A_598 = tpu.bitcast %and3A_597 : vector<16xi32> -> vector<16xf32>
      %add3A_599 = arith.addf %add3A_455, %bitcast_convert_type3A_598 : vector<16xf32>
      %get3A_600 = arith.constant 2 : i32
      %get3A_601 = arith.index_cast %get3A_600 : i32 to index
      %get3A_602 = arith.constant 48 : index
      %get3A_603 = tpu.vector_load %arg7[%get3A_601, %get3A_602] {strides = array<i32>} : memref<4x128xf32, #tpu.memory_space<vmem>>, vector<1x16xf32>,
      %get3A_604 = vector.shape_cast %get3A_603 : vector<1x16xf32> to vector<16xf32>
      %bitcast_convert_type3A_605 = tpu.bitcast %get3A_604 : vector<16xf32> -> vector<16xi32>
      %shift_left3A_606 = arith.constant 16 : i32
      %shift_left3A_607 = vector.broadcast %shift_left3A_606 : i32 to vector<16xi32>
      %shift_left3A_608 = arith.shli %bitcast_convert_type3A_605, %shift_left3A_607 : vector<16xi32>
      %bitcast_convert_type3A_609 = tpu.bitcast %shift_left3A_608 : vector<16xi32> -> vector<16xf32>
      %add3A_610 = arith.addf %add3A_466, %bitcast_convert_type3A_609 : vector<16xf32>
      %and3A_611 = vector.broadcast %scan3A : i32 to vector<16xi32>
      %and3A_612 = arith.andi %bitcast_convert_type3A_605, %and3A_611 : vector<16xi32>
      %bitcast_convert_type3A_613 = tpu.bitcast %and3A_612 : vector<16xi32> -> vector<16xf32>
      %add3A_614 = arith.addf %add3A_470, %bitcast_convert_type3A_613 : vector<16xf32>
      %get3A_615 = arith.constant 2 : i32
      %get3A_616 = arith.index_cast %get3A_615 : i32 to index
      %get3A_617 = arith.constant 64 : index
      %get3A_618 = tpu.vector_load %arg7[%get3A_616, %get3A_617] {strides = array<i32>} : memref<4x128xf32, #tpu.memory_space<vmem>>, vector<1x16xf32>,
      %get3A_619 = vector.shape_cast %get3A_618 : vector<1x16xf32> to vector<16xf32>
      %bitcast_convert_type3A_620 = tpu.bitcast %get3A_619 : vector<16xf32> -> vector<16xi32>
      %shift_left3A_621 = arith.constant 16 : i32
      %shift_left3A_622 = vector.broadcast %shift_left3A_621 : i32 to vector<16xi32>
      %shift_left3A_623 = arith.shli %bitcast_convert_type3A_620, %shift_left3A_622 : vector<16xi32>
      %bitcast_convert_type3A_624 = tpu.bitcast %shift_left3A_623 : vector<16xi32> -> vector<16xf32>
      %add3A_625 = arith.addf %add3A_481, %bitcast_convert_type3A_624 : vector<16xf32>
      %and3A_626 = vector.broadcast %scan3A : i32 to vector<16xi32>
      %and3A_627 = arith.andi %bitcast_convert_type3A_620, %and3A_626 : vector<16xi32>
      %bitcast_convert_type3A_628 = tpu.bitcast %and3A_627 : vector<16xi32> -> vector<16xf32>
      %add3A_629 = arith.addf %add3A_485, %bitcast_convert_type3A_628 : vector<16xf32>
      %get3A_630 = arith.constant 2 : i32
      %get3A_631 = arith.index_cast %get3A_630 : i32 to index
      %get3A_632 = arith.constant 80 : index
      %get3A_633 = tpu.vector_load %arg7[%get3A_631, %get3A_632] {strides = array<i32>} : memref<4x128xf32, #tpu.memory_space<vmem>>, vector<1x16xf32>,
      %get3A_634 = vector.shape_cast %get3A_633 : vector<1x16xf32> to vector<16xf32>
      %bitcast_convert_type3A_635 = tpu.bitcast %get3A_634 : vector<16xf32> -> vector<16xi32>
      %shift_left3A_636 = arith.constant 16 : i32
      %shift_left3A_637 = vector.broadcast %shift_left3A_636 : i32 to vector<16xi32>
      %shift_left3A_638 = arith.shli %bitcast_convert_type3A_635, %shift_left3A_637 : vector<16xi32>
      %bitcast_convert_type3A_639 = tpu.bitcast %shift_left3A_638 : vector<16xi32> -> vector<16xf32>
      %add3A_640 = arith.addf %add3A_496, %bitcast_convert_type3A_639 : vector<16xf32>
      %and3A_641 = vector.broadcast %scan3A : i32 to vector<16xi32>
      %and3A_642 = arith.andi %bitcast_convert_type3A_635, %and3A_641 : vector<16xi32>
      %bitcast_convert_type3A_643 = tpu.bitcast %and3A_642 : vector<16xi32> -> vector<16xf32>
      %add3A_644 = arith.addf %add3A_500, %bitcast_convert_type3A_643 : vector<16xf32>
      %get3A_645 = arith.constant 2 : i32
      %get3A_646 = arith.index_cast %get3A_645 : i32 to index
      %get3A_647 = arith.constant 96 : index
      %get3A_648 = tpu.vector_load %arg7[%get3A_646, %get3A_647] {strides = array<i32>} : memref<4x128xf32, #tpu.memory_space<vmem>>, vector<1x16xf32>,
      %get3A_649 = vector.shape_cast %get3A_648 : vector<1x16xf32> to vector<16xf32>
      %bitcast_convert_type3A_650 = tpu.bitcast %get3A_649 : vector<16xf32> -> vector<16xi32>
      %shift_left3A_651 = arith.constant 16 : i32
      %shift_left3A_652 = vector.broadcast %shift_left3A_651 : i32 to vector<16xi32>
      %shift_left3A_653 = arith.shli %bitcast_convert_type3A_650, %shift_left3A_652 : vector<16xi32>
      %bitcast_convert_type3A_654 = tpu.bitcast %shift_left3A_653 : vector<16xi32> -> vector<16xf32>
      %add3A_655 = arith.addf %add3A_511, %bitcast_convert_type3A_654 : vector<16xf32>
      %and3A_656 = vector.broadcast %scan3A : i32 to vector<16xi32>
      %and3A_657 = arith.andi %bitcast_convert_type3A_650, %and3A_656 : vector<16xi32>
      %bitcast_convert_type3A_658 = tpu.bitcast %and3A_657 : vector<16xi32> -> vector<16xf32>
      %add3A_659 = arith.addf %add3A_515, %bitcast_convert_type3A_658 : vector<16xf32>
      %get3A_660 = arith.constant 2 : i32
      %get3A_661 = arith.index_cast %get3A_660 : i32 to index
      %get3A_662 = arith.constant 112 : index
      %get3A_663 = tpu.vector_load %arg7[%get3A_661, %get3A_662] {strides = array<i32>} : memref<4x128xf32, #tpu.memory_space<vmem>>, vector<1x16xf32>,
      %get3A_664 = vector.shape_cast %get3A_663 : vector<1x16xf32> to vector<16xf32>
      %bitcast_convert_type3A_665 = tpu.bitcast %get3A_664 : vector<16xf32> -> vector<16xi32>
      %shift_left3A_666 = arith.constant 16 : i32
      %shift_left3A_667 = vector.broadcast %shift_left3A_666 : i32 to vector<16xi32>
      %shift_left3A_668 = arith.shli %bitcast_convert_type3A_665, %shift_left3A_667 : vector<16xi32>
      %bitcast_convert_type3A_669 = tpu.bitcast %shift_left3A_668 : vector<16xi32> -> vector<16xf32>
      %add3A_670 = arith.addf %add3A_526, %bitcast_convert_type3A_669 : vector<16xf32>
      %and3A_671 = vector.broadcast %scan3A : i32 to vector<16xi32>
      %and3A_672 = arith.andi %bitcast_convert_type3A_665, %and3A_671 : vector<16xi32>
      %bitcast_convert_type3A_673 = tpu.bitcast %and3A_672 : vector<16xi32> -> vector<16xf32>
      %add3A_674 = arith.addf %add3A_530, %bitcast_convert_type3A_673 : vector<16xf32>
      %add3A_675 = arith.constant 4 : i32
      %add3A_676 = arith.addi %add3A_543, %add3A_675 : i32
      %sub3A_677 = arith.constant 1 : i32
      %sub3A_678 = arith.subi %add3A_676, %sub3A_677 : i32
      %lt3A_679 = arith.constant 200 : i32
      %lt3A_680 = arith.cmpi slt, %sub3A_678, %lt3A_679 : i32
      %convert_element_type3A_681 = arith.extui %lt3A_680 : i1 to i32
      %cond3A_682 = arith.constant 0 : i32
      %cond3A_683 = arith.cmpi ne, %convert_element_type3A_681, %cond3A_682 : i32
      scf.if %cond3A_683 {
        %add3A_828 = arith.constant 4 : i32
        %add3A_829 = arith.addi %add3A_543, %add3A_828 : i32
        %sub3A_830 = arith.constant 1 : i32
        %sub3A_831 = arith.subi %add3A_829, %sub3A_830 : i32
        %dma_start3A_832 = arith.constant 1 : i32
        %dma_start3A_833 = arith.constant 0 : i32
        %dma_start3A_834 = tpu.memref_slice %arg7[%dma_start3A_832, %dma_start3A_833] : memref<4x128xf32, #tpu.memory_space<vmem>> -> memref<1x128xf32, #tpu.memory_space<vmem>>
        %dma_start3A_835 = tpu.memref_squeeze %dma_start3A_834 : memref<1x128xf32, #tpu.memory_space<vmem>> -> memref<128xf32, #tpu.memory_space<vmem>>
        %dma_start3A_836 = arith.constant 0 : i32
        %dma_start3A_837 = tpu.memref_slice %arg6[%sub3A_831, %dma_start3A_836] : memref<200x128xi32, #tpu.memory_space<vmem>> -> memref<1x128xi32, #tpu.memory_space<vmem>>
        %dma_start3A_838 = tpu.memref_squeeze %dma_start3A_837 : memref<1x128xi32, #tpu.memory_space<vmem>> -> memref<128xi32, #tpu.memory_space<vmem>>
        %dma_start3A_839 = arith.constant 0 : i32
        %dma_start3A_840 = tpu.memref_slice %arg10[%dma_start3A_839] : memref<1048576xf32, #tpu.memory_space<vmem_shared>> -> memref<1048576xf32, #tpu.memory_space<vmem_shared>>
        tpu.enqueue_indirect_dma source(%dma_start3A_840 : memref<1048576xf32, #tpu.memory_space<vmem_shared>>) target(%dma_start3A_835 : memref<128xf32, #tpu.memory_space<vmem>>) offsets(%dma_start3A_838 : memref<128xi32, #tpu.memory_space<vmem>>) semaphore(%arg12 : memref<!tpu.dma_semaphore, #tpu.memory_space<semaphore_mem>>)
      } else {
      }
      %mul3A_684 = arith.constant 4 : i32
      %mul3A_685 = arith.muli %mul3A_684, %scan3A_242 : i32
      %add3A_686 = arith.constant 3 : i32
      %add3A_687 = arith.addi %mul3A_685, %add3A_686 : i32
      %dma_wait3A_688 = arith.constant 3 : i32
      %dma_wait3A_689 = arith.constant 0 : i32
      %dma_wait3A_690 = tpu.memref_slice %arg7[%dma_wait3A_688, %dma_wait3A_689] : memref<4x128xf32, #tpu.memory_space<vmem>> -> memref<1x128xf32, #tpu.memory_space<vmem>>
      %dma_wait3A_691 = tpu.memref_squeeze %dma_wait3A_690 : memref<1x128xf32, #tpu.memory_space<vmem>> -> memref<128xf32, #tpu.memory_space<vmem>>
      %dma_wait3A_692 = arith.constant 0 : i32
      %dma_wait3A_693 = tpu.memref_slice %arg10[%dma_wait3A_692] : memref<1048576xf32, #tpu.memory_space<vmem_shared>> -> memref<128xf32, #tpu.memory_space<vmem_shared>>
      %dma_wait3A_694 = arith.constant 0 : i32
      %dma_wait3A_695 = tpu.memref_slice %arg7[%dma_wait3A_688, %dma_wait3A_694] : memref<4x128xf32, #tpu.memory_space<vmem>> -> memref<1x128xf32, #tpu.memory_space<vmem>>
      %dma_wait3A_696 = tpu.memref_squeeze %dma_wait3A_695 : memref<1x128xf32, #tpu.memory_space<vmem>> -> memref<128xf32, #tpu.memory_space<vmem>>
      %dma_wait3A_697 = arith.constant 0 : i32
      %dma_wait3A_698 = tpu.memref_slice %arg10[%dma_wait3A_697] : memref<1048576xf32, #tpu.memory_space<vmem_shared>> -> memref<128xf32, #tpu.memory_space<vmem_shared>>
      tpu.wait_dma2 semaphore(%arg14 : memref<!tpu.dma_semaphore, #tpu.memory_space<semaphore_mem>>) src(%dma_wait3A_698 : memref<128xf32, #tpu.memory_space<vmem_shared>>) dst(%dma_wait3A_696 : memref<128xf32, #tpu.memory_space<vmem>>)
      %get3A_699 = arith.constant 3 : i32
      %get3A_700 = arith.index_cast %get3A_699 : i32 to index
      %get3A_701 = arith.constant 0 : index
      %get3A_702 = tpu.vector_load %arg7[%get3A_700, %get3A_701] {strides = array<i32>} : memref<4x128xf32, #tpu.memory_space<vmem>>, vector<1x16xf32>,
      %get3A_703 = vector.shape_cast %get3A_702 : vector<1x16xf32> to vector<16xf32>
      %bitcast_convert_type3A_704 = tpu.bitcast %get3A_703 : vector<16xf32> -> vector<16xi32>
      %shift_left3A_705 = arith.constant 16 : i32
      %shift_left3A_706 = vector.broadcast %shift_left3A_705 : i32 to vector<16xi32>
      %shift_left3A_707 = arith.shli %bitcast_convert_type3A_704, %shift_left3A_706 : vector<16xi32>
      %bitcast_convert_type3A_708 = tpu.bitcast %shift_left3A_707 : vector<16xi32> -> vector<16xf32>
      %add3A_709 = arith.addf %add3A_565, %bitcast_convert_type3A_708 : vector<16xf32>
      %and3A_710 = vector.broadcast %scan3A : i32 to vector<16xi32>
      %and3A_711 = arith.andi %bitcast_convert_type3A_704, %and3A_710 : vector<16xi32>
      %bitcast_convert_type3A_712 = tpu.bitcast %and3A_711 : vector<16xi32> -> vector<16xf32>
      %add3A_713 = arith.addf %add3A_569, %bitcast_convert_type3A_712 : vector<16xf32>
      %get3A_714 = arith.constant 3 : i32
      %get3A_715 = arith.index_cast %get3A_714 : i32 to index
      %get3A_716 = arith.constant 16 : index
      %get3A_717 = tpu.vector_load %arg7[%get3A_715, %get3A_716] {strides = array<i32>} : memref<4x128xf32, #tpu.memory_space<vmem>>, vector<1x16xf32>,
      %get3A_718 = vector.shape_cast %get3A_717 : vector<1x16xf32> to vector<16xf32>
      %bitcast_convert_type3A_719 = tpu.bitcast %get3A_718 : vector<16xf32> -> vector<16xi32>
      %shift_left3A_720 = arith.constant 16 : i32
      %shift_left3A_721 = vector.broadcast %shift_left3A_720 : i32 to vector<16xi32>
      %shift_left3A_722 = arith.shli %bitcast_convert_type3A_719, %shift_left3A_721 : vector<16xi32>
      %bitcast_convert_type3A_723 = tpu.bitcast %shift_left3A_722 : vector<16xi32> -> vector<16xf32>
      %add3A_724 = arith.addf %add3A_580, %bitcast_convert_type3A_723 : vector<16xf32>
      %and3A_725 = vector.broadcast %scan3A : i32 to vector<16xi32>
      %and3A_726 = arith.andi %bitcast_convert_type3A_719, %and3A_725 : vector<16xi32>
      %bitcast_convert_type3A_727 = tpu.bitcast %and3A_726 : vector<16xi32> -> vector<16xf32>
      %add3A_728 = arith.addf %add3A_584, %bitcast_convert_type3A_727 : vector<16xf32>
      %get3A_729 = arith.constant 3 : i32
      %get3A_730 = arith.index_cast %get3A_729 : i32 to index
      %get3A_731 = arith.constant 32 : index
      %get3A_732 = tpu.vector_load %arg7[%get3A_730, %get3A_731] {strides = array<i32>} : memref<4x128xf32, #tpu.memory_space<vmem>>, vector<1x16xf32>,
      %get3A_733 = vector.shape_cast %get3A_732 : vector<1x16xf32> to vector<16xf32>
      %bitcast_convert_type3A_734 = tpu.bitcast %get3A_733 : vector<16xf32> -> vector<16xi32>
      %shift_left3A_735 = arith.constant 16 : i32
      %shift_left3A_736 = vector.broadcast %shift_left3A_735 : i32 to vector<16xi32>
      %shift_left3A_737 = arith.shli %bitcast_convert_type3A_734, %shift_left3A_736 : vector<16xi32>
      %bitcast_convert_type3A_738 = tpu.bitcast %shift_left3A_737 : vector<16xi32> -> vector<16xf32>
      %add3A_739 = arith.addf %add3A_595, %bitcast_convert_type3A_738 : vector<16xf32>
      %and3A_740 = vector.broadcast %scan3A : i32 to vector<16xi32>
      %and3A_741 = arith.andi %bitcast_convert_type3A_734, %and3A_740 : vector<16xi32>
      %bitcast_convert_type3A_742 = tpu.bitcast %and3A_741 : vector<16xi32> -> vector<16xf32>
      %add3A_743 = arith.addf %add3A_599, %bitcast_convert_type3A_742 : vector<16xf32>
      %get3A_744 = arith.constant 3 : i32
      %get3A_745 = arith.index_cast %get3A_744 : i32 to index
      %get3A_746 = arith.constant 48 : index
      %get3A_747 = tpu.vector_load %arg7[%get3A_745, %get3A_746] {strides = array<i32>} : memref<4x128xf32, #tpu.memory_space<vmem>>, vector<1x16xf32>,
      %get3A_748 = vector.shape_cast %get3A_747 : vector<1x16xf32> to vector<16xf32>
      %bitcast_convert_type3A_749 = tpu.bitcast %get3A_748 : vector<16xf32> -> vector<16xi32>
      %shift_left3A_750 = arith.constant 16 : i32
      %shift_left3A_751 = vector.broadcast %shift_left3A_750 : i32 to vector<16xi32>
      %shift_left3A_752 = arith.shli %bitcast_convert_type3A_749, %shift_left3A_751 : vector<16xi32>
      %bitcast_convert_type3A_753 = tpu.bitcast %shift_left3A_752 : vector<16xi32> -> vector<16xf32>
      %add3A_754 = arith.addf %add3A_610, %bitcast_convert_type3A_753 : vector<16xf32>
      %and3A_755 = vector.broadcast %scan3A : i32 to vector<16xi32>
      %and3A_756 = arith.andi %bitcast_convert_type3A_749, %and3A_755 : vector<16xi32>
      %bitcast_convert_type3A_757 = tpu.bitcast %and3A_756 : vector<16xi32> -> vector<16xf32>
      %add3A_758 = arith.addf %add3A_614, %bitcast_convert_type3A_757 : vector<16xf32>
      %get3A_759 = arith.constant 3 : i32
      %get3A_760 = arith.index_cast %get3A_759 : i32 to index
      %get3A_761 = arith.constant 64 : index
      %get3A_762 = tpu.vector_load %arg7[%get3A_760, %get3A_761] {strides = array<i32>} : memref<4x128xf32, #tpu.memory_space<vmem>>, vector<1x16xf32>,
      %get3A_763 = vector.shape_cast %get3A_762 : vector<1x16xf32> to vector<16xf32>
      %bitcast_convert_type3A_764 = tpu.bitcast %get3A_763 : vector<16xf32> -> vector<16xi32>
      %shift_left3A_765 = arith.constant 16 : i32
      %shift_left3A_766 = vector.broadcast %shift_left3A_765 : i32 to vector<16xi32>
      %shift_left3A_767 = arith.shli %bitcast_convert_type3A_764, %shift_left3A_766 : vector<16xi32>
      %bitcast_convert_type3A_768 = tpu.bitcast %shift_left3A_767 : vector<16xi32> -> vector<16xf32>
      %add3A_769 = arith.addf %add3A_625, %bitcast_convert_type3A_768 : vector<16xf32>
      %and3A_770 = vector.broadcast %scan3A : i32 to vector<16xi32>
      %and3A_771 = arith.andi %bitcast_convert_type3A_764, %and3A_770 : vector<16xi32>
      %bitcast_convert_type3A_772 = tpu.bitcast %and3A_771 : vector<16xi32> -> vector<16xf32>
      %add3A_773 = arith.addf %add3A_629, %bitcast_convert_type3A_772 : vector<16xf32>
      %get3A_774 = arith.constant 3 : i32
      %get3A_775 = arith.index_cast %get3A_774 : i32 to index
      %get3A_776 = arith.constant 80 : index
      %get3A_777 = tpu.vector_load %arg7[%get3A_775, %get3A_776] {strides = array<i32>} : memref<4x128xf32, #tpu.memory_space<vmem>>, vector<1x16xf32>,
      %get3A_778 = vector.shape_cast %get3A_777 : vector<1x16xf32> to vector<16xf32>
      %bitcast_convert_type3A_779 = tpu.bitcast %get3A_778 : vector<16xf32> -> vector<16xi32>
      %shift_left3A_780 = arith.constant 16 : i32
      %shift_left3A_781 = vector.broadcast %shift_left3A_780 : i32 to vector<16xi32>
      %shift_left3A_782 = arith.shli %bitcast_convert_type3A_779, %shift_left3A_781 : vector<16xi32>
      %bitcast_convert_type3A_783 = tpu.bitcast %shift_left3A_782 : vector<16xi32> -> vector<16xf32>
      %add3A_784 = arith.addf %add3A_640, %bitcast_convert_type3A_783 : vector<16xf32>
      %and3A_785 = vector.broadcast %scan3A : i32 to vector<16xi32>
      %and3A_786 = arith.andi %bitcast_convert_type3A_779, %and3A_785 : vector<16xi32>
      %bitcast_convert_type3A_787 = tpu.bitcast %and3A_786 : vector<16xi32> -> vector<16xf32>
      %add3A_788 = arith.addf %add3A_644, %bitcast_convert_type3A_787 : vector<16xf32>
      %get3A_789 = arith.constant 3 : i32
      %get3A_790 = arith.index_cast %get3A_789 : i32 to index
      %get3A_791 = arith.constant 96 : index
      %get3A_792 = tpu.vector_load %arg7[%get3A_790, %get3A_791] {strides = array<i32>} : memref<4x128xf32, #tpu.memory_space<vmem>>, vector<1x16xf32>,
      %get3A_793 = vector.shape_cast %get3A_792 : vector<1x16xf32> to vector<16xf32>
      %bitcast_convert_type3A_794 = tpu.bitcast %get3A_793 : vector<16xf32> -> vector<16xi32>
      %shift_left3A_795 = arith.constant 16 : i32
      %shift_left3A_796 = vector.broadcast %shift_left3A_795 : i32 to vector<16xi32>
      %shift_left3A_797 = arith.shli %bitcast_convert_type3A_794, %shift_left3A_796 : vector<16xi32>
      %bitcast_convert_type3A_798 = tpu.bitcast %shift_left3A_797 : vector<16xi32> -> vector<16xf32>
      %add3A_799 = arith.addf %add3A_655, %bitcast_convert_type3A_798 : vector<16xf32>
      %and3A_800 = vector.broadcast %scan3A : i32 to vector<16xi32>
      %and3A_801 = arith.andi %bitcast_convert_type3A_794, %and3A_800 : vector<16xi32>
      %bitcast_convert_type3A_802 = tpu.bitcast %and3A_801 : vector<16xi32> -> vector<16xf32>
      %add3A_803 = arith.addf %add3A_659, %bitcast_convert_type3A_802 : vector<16xf32>
      %get3A_804 = arith.constant 3 : i32
      %get3A_805 = arith.index_cast %get3A_804 : i32 to index
      %get3A_806 = arith.constant 112 : index
      %get3A_807 = tpu.vector_load %arg7[%get3A_805, %get3A_806] {strides = array<i32>} : memref<4x128xf32, #tpu.memory_space<vmem>>, vector<1x16xf32>,
      %get3A_808 = vector.shape_cast %get3A_807 : vector<1x16xf32> to vector<16xf32>
      %bitcast_convert_type3A_809 = tpu.bitcast %get3A_808 : vector<16xf32> -> vector<16xi32>
      %shift_left3A_810 = arith.constant 16 : i32
      %shift_left3A_811 = vector.broadcast %shift_left3A_810 : i32 to vector<16xi32>
      %shift_left3A_812 = arith.shli %bitcast_convert_type3A_809, %shift_left3A_811 : vector<16xi32>
      %bitcast_convert_type3A_813 = tpu.bitcast %shift_left3A_812 : vector<16xi32> -> vector<16xf32>
      %add3A_814 = arith.addf %add3A_670, %bitcast_convert_type3A_813 : vector<16xf32>
      %and3A_815 = vector.broadcast %scan3A : i32 to vector<16xi32>
      %and3A_816 = arith.andi %bitcast_convert_type3A_809, %and3A_815 : vector<16xi32>
      %bitcast_convert_type3A_817 = tpu.bitcast %and3A_816 : vector<16xi32> -> vector<16xf32>
      %add3A_818 = arith.addf %add3A_674, %bitcast_convert_type3A_817 : vector<16xf32>
      %add3A_819 = arith.constant 4 : i32
      %add3A_820 = arith.addi %add3A_687, %add3A_819 : i32
      %sub3A_821 = arith.constant 1 : i32
      %sub3A_822 = arith.subi %add3A_820, %sub3A_821 : i32
      %lt3A_823 = arith.constant 200 : i32
      %lt3A_824 = arith.cmpi slt, %sub3A_822, %lt3A_823 : i32
      %convert_element_type3A_825 = arith.extui %lt3A_824 : i1 to i32
      %cond3A_826 = arith.constant 0 : i32
      %cond3A_827 = arith.cmpi ne, %convert_element_type3A_825, %cond3A_826 : i32
      scf.if %cond3A_827 {
        %add3A_828 = arith.constant 4 : i32
        %add3A_829 = arith.addi %add3A_687, %add3A_828 : i32
        %sub3A_830 = arith.constant 1 : i32
        %sub3A_831 = arith.subi %add3A_829, %sub3A_830 : i32
        %dma_start3A_832 = arith.constant 2 : i32
        %dma_start3A_833 = arith.constant 0 : i32
        %dma_start3A_834 = tpu.memref_slice %arg7[%dma_start3A_832, %dma_start3A_833] : memref<4x128xf32, #tpu.memory_space<vmem>> -> memref<1x128xf32, #tpu.memory_space<vmem>>
        %dma_start3A_835 = tpu.memref_squeeze %dma_start3A_834 : memref<1x128xf32, #tpu.memory_space<vmem>> -> memref<128xf32, #tpu.memory_space<vmem>>
        %dma_start3A_836 = arith.constant 0 : i32
        %dma_start3A_837 = tpu.memref_slice %arg6[%sub3A_831, %dma_start3A_836] : memref<200x128xi32, #tpu.memory_space<vmem>> -> memref<1x128xi32, #tpu.memory_space<vmem>>
        %dma_start3A_838 = tpu.memref_squeeze %dma_start3A_837 : memref<1x128xi32, #tpu.memory_space<vmem>> -> memref<128xi32, #tpu.memory_space<vmem>>
        %dma_start3A_839 = arith.constant 0 : i32
        %dma_start3A_840 = tpu.memref_slice %arg10[%dma_start3A_839] : memref<1048576xf32, #tpu.memory_space<vmem_shared>> -> memref<1048576xf32, #tpu.memory_space<vmem_shared>>
        tpu.enqueue_indirect_dma source(%dma_start3A_840 : memref<1048576xf32, #tpu.memory_space<vmem_shared>>) target(%dma_start3A_835 : memref<128xf32, #tpu.memory_space<vmem>>) offsets(%dma_start3A_838 : memref<128xi32, #tpu.memory_space<vmem>>) semaphore(%arg13 : memref<!tpu.dma_semaphore, #tpu.memory_space<semaphore_mem>>)
      } else {
      }
      scf.yield %add3A_709, %add3A_724, %add3A_739, %add3A_754, %add3A_769, %add3A_784, %add3A_799, %add3A_814, %add3A_713, %add3A_728, %add3A_743, %add3A_758, %add3A_773, %add3A_788, %add3A_803, %add3A_818 : vector<16xf32>, vector<16xf32>, vector<16xf32>, vector<16xf32>, vector<16xf32>, vector<16xf32>, vector<16xf32>, vector<16xf32>, vector<16xf32>, vector<16xf32>, vector<16xf32>, vector<16xf32>, vector<16xf32>, vector<16xf32>, vector<16xf32>, vector<16xf32>
    }
    %scan3A_51 = arith.constant 50 : i32
    %get3A = arith.constant 0 : i32
    %get3A_52 = arith.index_cast %get3A : i32 to index
    %get3A_53 = arith.constant 0 : index
    %get3A_54 = tpu.vector_load %arg9[%get3A_52, %get3A_53] {strides = array<i32>} : memref<2x16xf32, #tpu.memory_space<vmem>>, vector<1x16xf32>,
    %get3A_55 = vector.shape_cast %get3A_54 : vector<1x16xf32> to vector<16xf32>
    %add3A_56 = arith.addf %scan3A_50#0, %get3A_55 : vector<16xf32>
    %swap3A = arith.constant 0 : i32
    %swap3A_57 = arith.index_cast %swap3A : i32 to index
    %swap3A_58 = arith.constant 0 : index
    %swap3A_59 = tpu.vector_load %arg8[%swap3A_57, %swap3A_58] {strides = array<i32>} : memref<2x128xf32, #tpu.memory_space<vmem>>, vector<1x16xf32>,
    %swap3A_60 = vector.shape_cast %swap3A_59 : vector<1x16xf32> to vector<16xf32>
    %swap3A_61 = vector.shape_cast %add3A_56 : vector<16xf32> to vector<1x16xf32>
    tpu.vector_store %arg8[%swap3A_57, %swap3A_58], %swap3A_61 {strides = array<i32>} : memref<2x128xf32, #tpu.memory_space<vmem>>, vector<1x16xf32>,
    %get3A_62 = arith.constant 1 : i32
    %get3A_63 = arith.index_cast %get3A_62 : i32 to index
    %get3A_64 = arith.constant 0 : index
    %get3A_65 = tpu.vector_load %arg9[%get3A_63, %get3A_64] {strides = array<i32>} : memref<2x16xf32, #tpu.memory_space<vmem>>, vector<1x16xf32>,
    %get3A_66 = vector.shape_cast %get3A_65 : vector<1x16xf32> to vector<16xf32>
    %add3A_67 = arith.addf %scan3A_50#8, %get3A_66 : vector<16xf32>
    %swap3A_68 = arith.constant 1 : i32
    %swap3A_69 = arith.index_cast %swap3A_68 : i32 to index
    %swap3A_70 = arith.constant 0 : index
    %swap3A_71 = tpu.vector_load %arg8[%swap3A_69, %swap3A_70] {strides = array<i32>} : memref<2x128xf32, #tpu.memory_space<vmem>>, vector<1x16xf32>,
    %swap3A_72 = vector.shape_cast %swap3A_71 : vector<1x16xf32> to vector<16xf32>
    %swap3A_73 = vector.shape_cast %add3A_67 : vector<16xf32> to vector<1x16xf32>
    tpu.vector_store %arg8[%swap3A_69, %swap3A_70], %swap3A_73 {strides = array<i32>} : memref<2x128xf32, #tpu.memory_space<vmem>>, vector<1x16xf32>,
    %get3A_74 = arith.constant 0 : i32
    %get3A_75 = arith.index_cast %get3A_74 : i32 to index
    %get3A_76 = arith.constant 0 : index
    %get3A_77 = tpu.vector_load %arg9[%get3A_75, %get3A_76] {strides = array<i32>} : memref<2x16xf32, #tpu.memory_space<vmem>>, vector<1x16xf32>,
    %get3A_78 = vector.shape_cast %get3A_77 : vector<1x16xf32> to vector<16xf32>
    %add3A_79 = arith.addf %scan3A_50#1, %get3A_78 : vector<16xf32>
    %swap3A_80 = arith.constant 0 : i32
    %swap3A_81 = arith.index_cast %swap3A_80 : i32 to index
    %swap3A_82 = arith.constant 16 : index
    %swap3A_83 = tpu.vector_load %arg8[%swap3A_81, %swap3A_82] {strides = array<i32>} : memref<2x128xf32, #tpu.memory_space<vmem>>, vector<1x16xf32>,
    %swap3A_84 = vector.shape_cast %swap3A_83 : vector<1x16xf32> to vector<16xf32>
    %swap3A_85 = vector.shape_cast %add3A_79 : vector<16xf32> to vector<1x16xf32>
    tpu.vector_store %arg8[%swap3A_81, %swap3A_82], %swap3A_85 {strides = array<i32>} : memref<2x128xf32, #tpu.memory_space<vmem>>, vector<1x16xf32>,
    %get3A_86 = arith.constant 1 : i32
    %get3A_87 = arith.index_cast %get3A_86 : i32 to index
    %get3A_88 = arith.constant 0 : index
    %get3A_89 = tpu.vector_load %arg9[%get3A_87, %get3A_88] {strides = array<i32>} : memref<2x16xf32, #tpu.memory_space<vmem>>, vector<1x16xf32>,
    %get3A_90 = vector.shape_cast %get3A_89 : vector<1x16xf32> to vector<16xf32>
    %add3A_91 = arith.addf %scan3A_50#9, %get3A_90 : vector<16xf32>
    %swap3A_92 = arith.constant 1 : i32
    %swap3A_93 = arith.index_cast %swap3A_92 : i32 to index
    %swap3A_94 = arith.constant 16 : index
    %swap3A_95 = tpu.vector_load %arg8[%swap3A_93, %swap3A_94] {strides = array<i32>} : memref<2x128xf32, #tpu.memory_space<vmem>>, vector<1x16xf32>,
    %swap3A_96 = vector.shape_cast %swap3A_95 : vector<1x16xf32> to vector<16xf32>
    %swap3A_97 = vector.shape_cast %add3A_91 : vector<16xf32> to vector<1x16xf32>
    tpu.vector_store %arg8[%swap3A_93, %swap3A_94], %swap3A_97 {strides = array<i32>} : memref<2x128xf32, #tpu.memory_space<vmem>>, vector<1x16xf32>,
    %get3A_98 = arith.constant 0 : i32
    %get3A_99 = arith.index_cast %get3A_98 : i32 to index
    %get3A_100 = arith.constant 0 : index
    %get3A_101 = tpu.vector_load %arg9[%get3A_99, %get3A_100] {strides = array<i32>} : memref<2x16xf32, #tpu.memory_space<vmem>>, vector<1x16xf32>,
    %get3A_102 = vector.shape_cast %get3A_101 : vector<1x16xf32> to vector<16xf32>
    %add3A_103 = arith.addf %scan3A_50#2, %get3A_102 : vector<16xf32>
    %swap3A_104 = arith.constant 0 : i32
    %swap3A_105 = arith.index_cast %swap3A_104 : i32 to index
    %swap3A_106 = arith.constant 32 : index
    %swap3A_107 = tpu.vector_load %arg8[%swap3A_105, %swap3A_106] {strides = array<i32>} : memref<2x128xf32, #tpu.memory_space<vmem>>, vector<1x16xf32>,
    %swap3A_108 = vector.shape_cast %swap3A_107 : vector<1x16xf32> to vector<16xf32>
    %swap3A_109 = vector.shape_cast %add3A_103 : vector<16xf32> to vector<1x16xf32>
    tpu.vector_store %arg8[%swap3A_105, %swap3A_106], %swap3A_109 {strides = array<i32>} : memref<2x128xf32, #tpu.memory_space<vmem>>, vector<1x16xf32>,
    %get3A_110 = arith.constant 1 : i32
    %get3A_111 = arith.index_cast %get3A_110 : i32 to index
    %get3A_112 = arith.constant 0 : index
    %get3A_113 = tpu.vector_load %arg9[%get3A_111, %get3A_112] {strides = array<i32>} : memref<2x16xf32, #tpu.memory_space<vmem>>, vector<1x16xf32>,
    %get3A_114 = vector.shape_cast %get3A_113 : vector<1x16xf32> to vector<16xf32>
    %add3A_115 = arith.addf %scan3A_50#10, %get3A_114 : vector<16xf32>
    %swap3A_116 = arith.constant 1 : i32
    %swap3A_117 = arith.index_cast %swap3A_116 : i32 to index
    %swap3A_118 = arith.constant 32 : index
    %swap3A_119 = tpu.vector_load %arg8[%swap3A_117, %swap3A_118] {strides = array<i32>} : memref<2x128xf32, #tpu.memory_space<vmem>>, vector<1x16xf32>,
    %swap3A_120 = vector.shape_cast %swap3A_119 : vector<1x16xf32> to vector<16xf32>
    %swap3A_121 = vector.shape_cast %add3A_115 : vector<16xf32> to vector<1x16xf32>
    tpu.vector_store %arg8[%swap3A_117, %swap3A_118], %swap3A_121 {strides = array<i32>} : memref<2x128xf32, #tpu.memory_space<vmem>>, vector<1x16xf32>,
    %get3A_122 = arith.constant 0 : i32
    %get3A_123 = arith.index_cast %get3A_122 : i32 to index
    %get3A_124 = arith.constant 0 : index
    %get3A_125 = tpu.vector_load %arg9[%get3A_123, %get3A_124] {strides = array<i32>} : memref<2x16xf32, #tpu.memory_space<vmem>>, vector<1x16xf32>,
    %get3A_126 = vector.shape_cast %get3A_125 : vector<1x16xf32> to vector<16xf32>
    %add3A_127 = arith.addf %scan3A_50#3, %get3A_126 : vector<16xf32>
    %swap3A_128 = arith.constant 0 : i32
    %swap3A_129 = arith.index_cast %swap3A_128 : i32 to index
    %swap3A_130 = arith.constant 48 : index
    %swap3A_131 = tpu.vector_load %arg8[%swap3A_129, %swap3A_130] {strides = array<i32>} : memref<2x128xf32, #tpu.memory_space<vmem>>, vector<1x16xf32>,
    %swap3A_132 = vector.shape_cast %swap3A_131 : vector<1x16xf32> to vector<16xf32>
    %swap3A_133 = vector.shape_cast %add3A_127 : vector<16xf32> to vector<1x16xf32>
    tpu.vector_store %arg8[%swap3A_129, %swap3A_130], %swap3A_133 {strides = array<i32>} : memref<2x128xf32, #tpu.memory_space<vmem>>, vector<1x16xf32>,
    %get3A_134 = arith.constant 1 : i32
    %get3A_135 = arith.index_cast %get3A_134 : i32 to index
    %get3A_136 = arith.constant 0 : index
    %get3A_137 = tpu.vector_load %arg9[%get3A_135, %get3A_136] {strides = array<i32>} : memref<2x16xf32, #tpu.memory_space<vmem>>, vector<1x16xf32>,
    %get3A_138 = vector.shape_cast %get3A_137 : vector<1x16xf32> to vector<16xf32>
    %add3A_139 = arith.addf %scan3A_50#11, %get3A_138 : vector<16xf32>
    %swap3A_140 = arith.constant 1 : i32
    %swap3A_141 = arith.index_cast %swap3A_140 : i32 to index
    %swap3A_142 = arith.constant 48 : index
    %swap3A_143 = tpu.vector_load %arg8[%swap3A_141, %swap3A_142] {strides = array<i32>} : memref<2x128xf32, #tpu.memory_space<vmem>>, vector<1x16xf32>,
    %swap3A_144 = vector.shape_cast %swap3A_143 : vector<1x16xf32> to vector<16xf32>
    %swap3A_145 = vector.shape_cast %add3A_139 : vector<16xf32> to vector<1x16xf32>
    tpu.vector_store %arg8[%swap3A_141, %swap3A_142], %swap3A_145 {strides = array<i32>} : memref<2x128xf32, #tpu.memory_space<vmem>>, vector<1x16xf32>,
    %get3A_146 = arith.constant 0 : i32
    %get3A_147 = arith.index_cast %get3A_146 : i32 to index
    %get3A_148 = arith.constant 0 : index
    %get3A_149 = tpu.vector_load %arg9[%get3A_147, %get3A_148] {strides = array<i32>} : memref<2x16xf32, #tpu.memory_space<vmem>>, vector<1x16xf32>,
    %get3A_150 = vector.shape_cast %get3A_149 : vector<1x16xf32> to vector<16xf32>
    %add3A_151 = arith.addf %scan3A_50#4, %get3A_150 : vector<16xf32>
    %swap3A_152 = arith.constant 0 : i32
    %swap3A_153 = arith.index_cast %swap3A_152 : i32 to index
    %swap3A_154 = arith.constant 64 : index
    %swap3A_155 = tpu.vector_load %arg8[%swap3A_153, %swap3A_154] {strides = array<i32>} : memref<2x128xf32, #tpu.memory_space<vmem>>, vector<1x16xf32>,
    %swap3A_156 = vector.shape_cast %swap3A_155 : vector<1x16xf32> to vector<16xf32>
    %swap3A_157 = vector.shape_cast %add3A_151 : vector<16xf32> to vector<1x16xf32>
    tpu.vector_store %arg8[%swap3A_153, %swap3A_154], %swap3A_157 {strides = array<i32>} : memref<2x128xf32, #tpu.memory_space<vmem>>, vector<1x16xf32>,
    %get3A_158 = arith.constant 1 : i32
    %get3A_159 = arith.index_cast %get3A_158 : i32 to index
    %get3A_160 = arith.constant 0 : index
    %get3A_161 = tpu.vector_load %arg9[%get3A_159, %get3A_160] {strides = array<i32>} : memref<2x16xf32, #tpu.memory_space<vmem>>, vector<1x16xf32>,
    %get3A_162 = vector.shape_cast %get3A_161 : vector<1x16xf32> to vector<16xf32>
    %add3A_163 = arith.addf %scan3A_50#12, %get3A_162 : vector<16xf32>
    %swap3A_164 = arith.constant 1 : i32
    %swap3A_165 = arith.index_cast %swap3A_164 : i32 to index
    %swap3A_166 = arith.constant 64 : index
    %swap3A_167 = tpu.vector_load %arg8[%swap3A_165, %swap3A_166] {strides = array<i32>} : memref<2x128xf32, #tpu.memory_space<vmem>>, vector<1x16xf32>,
    %swap3A_168 = vector.shape_cast %swap3A_167 : vector<1x16xf32> to vector<16xf32>
    %swap3A_169 = vector.shape_cast %add3A_163 : vector<16xf32> to vector<1x16xf32>
    tpu.vector_store %arg8[%swap3A_165, %swap3A_166], %swap3A_169 {strides = array<i32>} : memref<2x128xf32, #tpu.memory_space<vmem>>, vector<1x16xf32>,
    %get3A_170 = arith.constant 0 : i32
    %get3A_171 = arith.index_cast %get3A_170 : i32 to index
    %get3A_172 = arith.constant 0 : index
    %get3A_173 = tpu.vector_load %arg9[%get3A_171, %get3A_172] {strides = array<i32>} : memref<2x16xf32, #tpu.memory_space<vmem>>, vector<1x16xf32>,
    %get3A_174 = vector.shape_cast %get3A_173 : vector<1x16xf32> to vector<16xf32>
    %add3A_175 = arith.addf %scan3A_50#5, %get3A_174 : vector<16xf32>
    %swap3A_176 = arith.constant 0 : i32
    %swap3A_177 = arith.index_cast %swap3A_176 : i32 to index
    %swap3A_178 = arith.constant 80 : index
    %swap3A_179 = tpu.vector_load %arg8[%swap3A_177, %swap3A_178] {strides = array<i32>} : memref<2x128xf32, #tpu.memory_space<vmem>>, vector<1x16xf32>,
    %swap3A_180 = vector.shape_cast %swap3A_179 : vector<1x16xf32> to vector<16xf32>
    %swap3A_181 = vector.shape_cast %add3A_175 : vector<16xf32> to vector<1x16xf32>
    tpu.vector_store %arg8[%swap3A_177, %swap3A_178], %swap3A_181 {strides = array<i32>} : memref<2x128xf32, #tpu.memory_space<vmem>>, vector<1x16xf32>,
    %get3A_182 = arith.constant 1 : i32
    %get3A_183 = arith.index_cast %get3A_182 : i32 to index
    %get3A_184 = arith.constant 0 : index
    %get3A_185 = tpu.vector_load %arg9[%get3A_183, %get3A_184] {strides = array<i32>} : memref<2x16xf32, #tpu.memory_space<vmem>>, vector<1x16xf32>,
    %get3A_186 = vector.shape_cast %get3A_185 : vector<1x16xf32> to vector<16xf32>
    %add3A_187 = arith.addf %scan3A_50#13, %get3A_186 : vector<16xf32>
    %swap3A_188 = arith.constant 1 : i32
    %swap3A_189 = arith.index_cast %swap3A_188 : i32 to index
    %swap3A_190 = arith.constant 80 : index
    %swap3A_191 = tpu.vector_load %arg8[%swap3A_189, %swap3A_190] {strides = array<i32>} : memref<2x128xf32, #tpu.memory_space<vmem>>, vector<1x16xf32>,
    %swap3A_192 = vector.shape_cast %swap3A_191 : vector<1x16xf32> to vector<16xf32>
    %swap3A_193 = vector.shape_cast %add3A_187 : vector<16xf32> to vector<1x16xf32>
    tpu.vector_store %arg8[%swap3A_189, %swap3A_190], %swap3A_193 {strides = array<i32>} : memref<2x128xf32, #tpu.memory_space<vmem>>, vector<1x16xf32>,
    %get3A_194 = arith.constant 0 : i32
    %get3A_195 = arith.index_cast %get3A_194 : i32 to index
    %get3A_196 = arith.constant 0 : index
    %get3A_197 = tpu.vector_load %arg9[%get3A_195, %get3A_196] {strides = array<i32>} : memref<2x16xf32, #tpu.memory_space<vmem>>, vector<1x16xf32>,
    %get3A_198 = vector.shape_cast %get3A_197 : vector<1x16xf32> to vector<16xf32>
    %add3A_199 = arith.addf %scan3A_50#6, %get3A_198 : vector<16xf32>
    %swap3A_200 = arith.constant 0 : i32
    %swap3A_201 = arith.index_cast %swap3A_200 : i32 to index
    %swap3A_202 = arith.constant 96 : index
    %swap3A_203 = tpu.vector_load %arg8[%swap3A_201, %swap3A_202] {strides = array<i32>} : memref<2x128xf32, #tpu.memory_space<vmem>>, vector<1x16xf32>,
    %swap3A_204 = vector.shape_cast %swap3A_203 : vector<1x16xf32> to vector<16xf32>
    %swap3A_205 = vector.shape_cast %add3A_199 : vector<16xf32> to vector<1x16xf32>
    tpu.vector_store %arg8[%swap3A_201, %swap3A_202], %swap3A_205 {strides = array<i32>} : memref<2x128xf32, #tpu.memory_space<vmem>>, vector<1x16xf32>,
    %get3A_206 = arith.constant 1 : i32
    %get3A_207 = arith.index_cast %get3A_206 : i32 to index
    %get3A_208 = arith.constant 0 : index
    %get3A_209 = tpu.vector_load %arg9[%get3A_207, %get3A_208] {strides = array<i32>} : memref<2x16xf32, #tpu.memory_space<vmem>>, vector<1x16xf32>,
    %get3A_210 = vector.shape_cast %get3A_209 : vector<1x16xf32> to vector<16xf32>
    %add3A_211 = arith.addf %scan3A_50#14, %get3A_210 : vector<16xf32>
    %swap3A_212 = arith.constant 1 : i32
    %swap3A_213 = arith.index_cast %swap3A_212 : i32 to index
    %swap3A_214 = arith.constant 96 : index
    %swap3A_215 = tpu.vector_load %arg8[%swap3A_213, %swap3A_214] {strides = array<i32>} : memref<2x128xf32, #tpu.memory_space<vmem>>, vector<1x16xf32>,
    %swap3A_216 = vector.shape_cast %swap3A_215 : vector<1x16xf32> to vector<16xf32>
    %swap3A_217 = vector.shape_cast %add3A_211 : vector<16xf32> to vector<1x16xf32>
    tpu.vector_store %arg8[%swap3A_213, %swap3A_214], %swap3A_217 {strides = array<i32>} : memref<2x128xf32, #tpu.memory_space<vmem>>, vector<1x16xf32>,
    %get3A_218 = arith.constant 0 : i32
    %get3A_219 = arith.index_cast %get3A_218 : i32 to index
    %get3A_220 = arith.constant 0 : index
    %get3A_221 = tpu.vector_load %arg9[%get3A_219, %get3A_220] {strides = array<i32>} : memref<2x16xf32, #tpu.memory_space<vmem>>, vector<1x16xf32>,
    %get3A_222 = vector.shape_cast %get3A_221 : vector<1x16xf32> to vector<16xf32>
    %add3A_223 = arith.addf %scan3A_50#7, %get3A_222 : vector<16xf32>
    %swap3A_224 = arith.constant 0 : i32
    %swap3A_225 = arith.index_cast %swap3A_224 : i32 to index
    %swap3A_226 = arith.constant 112 : index
    %swap3A_227 = tpu.vector_load %arg8[%swap3A_225, %swap3A_226] {strides = array<i32>} : memref<2x128xf32, #tpu.memory_space<vmem>>, vector<1x16xf32>,
    %swap3A_228 = vector.shape_cast %swap3A_227 : vector<1x16xf32> to vector<16xf32>
    %swap3A_229 = vector.shape_cast %add3A_223 : vector<16xf32> to vector<1x16xf32>
    tpu.vector_store %arg8[%swap3A_225, %swap3A_226], %swap3A_229 {strides = array<i32>} : memref<2x128xf32, #tpu.memory_space<vmem>>, vector<1x16xf32>,
    %get3A_230 = arith.constant 1 : i32
    %get3A_231 = arith.index_cast %get3A_230 : i32 to index
    %get3A_232 = arith.constant 0 : index
    %get3A_233 = tpu.vector_load %arg9[%get3A_231, %get3A_232] {strides = array<i32>} : memref<2x16xf32, #tpu.memory_space<vmem>>, vector<1x16xf32>,
    %get3A_234 = vector.shape_cast %get3A_233 : vector<1x16xf32> to vector<16xf32>
    %add3A_235 = arith.addf %scan3A_50#15, %get3A_234 : vector<16xf32>
    %swap3A_236 = arith.constant 1 : i32
    %swap3A_237 = arith.index_cast %swap3A_236 : i32 to index
    %swap3A_238 = arith.constant 112 : index
    %swap3A_239 = tpu.vector_load %arg8[%swap3A_237, %swap3A_238] {strides = array<i32>} : memref<2x128xf32, #tpu.memory_space<vmem>>, vector<1x16xf32>,
    %swap3A_240 = vector.shape_cast %swap3A_239 : vector<1x16xf32> to vector<16xf32>
    %swap3A_241 = vector.shape_cast %add3A_235 : vector<16xf32> to vector<1x16xf32>
    tpu.vector_store %arg8[%swap3A_237, %swap3A_238], %swap3A_241 {strides = array<i32>} : memref<2x128xf32, #tpu.memory_space<vmem>>, vector<1x16xf32>,
    "tpu.region"() ({
      %run_scoped3A = tpu.sem_alloc : memref<!tpu.dma_semaphore, #tpu.memory_space<semaphore_mem>>
      %dma_start3A_242 = arith.constant 0 : i32
      %dma_start3A_243 = tpu.memref_slice %arg5[%dma_start3A_242, %mul3A_2] : memref<2x4096xf32, #tpu.memory_space<hbm>> -> memref<2x128xf32, #tpu.memory_space<hbm>>
      %dma_start3A_244 = arith.constant 0 : i32
      %dma_start3A_245 = tpu.memref_slice %arg5[%dma_start3A_244, %mul3A_2] : memref<2x4096xf32, #tpu.memory_space<hbm>> -> memref<2x128xf32, #tpu.memory_space<hbm>>
      tpu.enqueue_dma source(%arg8 : memref<2x128xf32, #tpu.memory_space<vmem>>) target(%dma_start3A_245 : memref<2x128xf32, #tpu.memory_space<hbm>>) target_semaphore(%run_scoped3A : memref<!tpu.dma_semaphore, #tpu.memory_space<semaphore_mem>>)
      %dma_wait3A_246 = arith.constant 0 : i32
      %dma_wait3A_247 = tpu.memref_slice %arg5[%dma_wait3A_246, %mul3A_2] : memref<2x4096xf32, #tpu.memory_space<hbm>> -> memref<2x128xf32, #tpu.memory_space<hbm>>
      %dma_wait3A_248 = arith.constant 0 : i32
      %dma_wait3A_249 = tpu.memref_slice %arg5[%dma_wait3A_248, %mul3A_2] : memref<2x4096xf32, #tpu.memory_space<hbm>> -> memref<2x128xf32, #tpu.memory_space<hbm>>
      tpu.wait_dma2 semaphore(%run_scoped3A : memref<!tpu.dma_semaphore, #tpu.memory_space<semaphore_mem>>) src(%arg8 : memref<2x128xf32, #tpu.memory_space<vmem>>) dst(%dma_wait3A_249 : memref<2x128xf32, #tpu.memory_space<hbm>>)
      tpu.yield
    }) : () -> ()
    return
  }
}

module attributes {stable_mosaic.version = 14 : i64} {
  func.func @_tc_project_body(%arg0: i32, %arg1: memref<2x64xf32, #tpu.memory_space<vmem>>, %arg2: memref<64x32768xf32, #tpu.memory_space<vmem>>, %arg3: memref<32768xf32, #tpu.memory_space<vmem>>) attributes {dimension_semantics = [#tpu.dimension_semantics<arbitrary>], iteration_bounds = array<i64: 32>, scalar_prefetch = 0 : i64, scratch_operands = 0 : i64, tpu.core_type = #tpu.core_type<tc>, window_params = [{pipeline_mode = #tpu.pipeline_mode<synchronous>, transform_indices = @transform_0, window_bounds = array<i64: 2, 64>}, {transform_indices = @transform_1, window_bounds = array<i64: 64, 32768>}, {transform_indices = @transform_2, window_bounds = array<i64: 32768>}]} {
    %get3A = arith.constant 0 : index
    %get3A_0 = arith.constant 0 : index
    %get3A_1 = vector.load %arg1[%get3A, %get3A_0] : memref<2x64xf32, #tpu.memory_space<vmem>>, vector<2x64xf32>
    %get3A_2 = arith.constant 0 : index
    %get3A_3 = arith.constant 0 : index
    %get3A_4 = vector.load %arg2[%get3A_2, %get3A_3] : memref<64x32768xf32, #tpu.memory_space<vmem>>, vector<64x32768xf32>
    %dot_general3A = arith.constant dense<0.000000e+00> : vector<2x32768xf32>
    %dot_general3A_5 = tpu.matmul %get3A_1, %get3A_4, %dot_general3A {dimension_numbers = #tpu.dot_dimension_numbers<[1], [0], [0], [1], [0, 0, 1, 1], [], []>, transpose_lhs_hint = false} : vector<2x64xf32>, vector<64x32768xf32>, vector<2x32768xf32> -> vector<2x32768xf32>
    %mul3A = arith.constant 5.000000e-03 : f32
    %mul3A_6 = vector.broadcast %mul3A : f32 to vector<2x32768xf32>
    %mul3A_7 = arith.mulf %dot_general3A_5, %mul3A_6 : vector<2x32768xf32>
    %slice3A = vector.extract_strided_slice %mul3A_7 {offsets = [0, 0], sizes = [1, 32768], strides = [1, 1]} : vector<2x32768xf32> to vector<1x32768xf32>
    %squeeze3A = vector.shape_cast %slice3A : vector<1x32768xf32> to vector<32768xf32>
    %convert_element_type3A = arith.truncf %squeeze3A : vector<32768xf32> to vector<32768xbf16>
    %bitcast_convert_type3A = tpu.bitcast %convert_element_type3A : vector<32768xbf16> -> vector<32768xi16>
    %convert_element_type3A_8 = arith.extui %bitcast_convert_type3A : vector<32768xi16> to vector<32768xi32>
    %slice3A_9 = vector.extract_strided_slice %mul3A_7 {offsets = [1, 0], sizes = [1, 32768], strides = [1, 1]} : vector<2x32768xf32> to vector<1x32768xf32>
    %squeeze3A_10 = vector.shape_cast %slice3A_9 : vector<1x32768xf32> to vector<32768xf32>
    %convert_element_type3A_11 = arith.truncf %squeeze3A_10 : vector<32768xf32> to vector<32768xbf16>
    %bitcast_convert_type3A_12 = tpu.bitcast %convert_element_type3A_11 : vector<32768xbf16> -> vector<32768xi16>
    %convert_element_type3A_13 = arith.extui %bitcast_convert_type3A_12 : vector<32768xi16> to vector<32768xi32>
    %shift_left3A = arith.constant 16 : i32
    %shift_left3A_14 = vector.broadcast %shift_left3A : i32 to vector<32768xi32>
    %shift_left3A_15 = arith.shli %convert_element_type3A_13, %shift_left3A_14 : vector<32768xi32>
    %or3A = arith.ori %convert_element_type3A_8, %shift_left3A_15 : vector<32768xi32>
    %bitcast_convert_type3A_16 = tpu.bitcast %or3A : vector<32768xi32> -> vector<32768xf32>
    %swap3A = arith.constant 0 : index
    %swap3A_17 = vector.load %arg3[%swap3A] : memref<32768xf32, #tpu.memory_space<vmem>>, vector<32768xf32>
    tpu.vector_store %arg3[%swap3A], %bitcast_convert_type3A_16 {strides = array<i32>} : memref<32768xf32, #tpu.memory_space<vmem>>, vector<32768xf32>,
    return
  }
  func.func @transform_0(%arg0: i32) -> (i32, i32) {
    %c0_i32 = arith.constant 0 : i32
    %c0_i32_0 = arith.constant 0 : i32
    %c0_i32_1 = arith.constant 0 : i32
    return %c0_i32, %c0_i32_0 : i32, i32
  }
  func.func @transform_1(%arg0: i32) -> (i32, i32) {
    %min3A = arith.constant 30 : i32
    %min3A_0 = arith.minsi %arg0, %min3A : i32
    %c0_i32 = arith.constant 0 : i32
    %c0_i32_1 = arith.constant 0 : i32
    return %c0_i32, %min3A_0 : i32, i32
  }
  func.func @transform_2(%arg0: i32) -> i32 {
    %c0_i32 = arith.constant 0 : i32
    return %arg0 : i32
  }
}

</mosaic_0001>

<sc_bundles>
// kernel: kernel.4.cloned.1.call-start
scs
__scs_entry_jumppad:
0x0: {  	(pc) =	sbr.rel $0x88, $3  }
0x1: {  	(tag) =	ssettag $0x0;
	lr =	simm.s32 $0x1  }
0x2: {  	[smem:$0x3F9D] =	sst lr;
	_ =	strace $0xD0000000  }
0x3: {  	_ = 	snop  }
0x4: {  	_ = 	snop  }
0x5: {  	_ = 	snop  }
0x6: {  	_ = 	snop  }
0x7: {  	_ = 	snop  }
__scs_overlays_trampoline_lowered:
0x8: {  	[smem:$0x3FAC] =	sst s0  }
0x9: {  	[smem:$0x3FAD] =	sst s1  }
0xa: {  	[smem:$0x3FAE] =	sst s2  }
0xb: {  	[smem:$0x3FAF] =	sst s3  }
0xc: {  	[smem:$0x3FB0] =	sst s4  }
0xd: {  	[smem:$0x3FB1] =	sst s5  }
0xe: {  	[smem:$0x3FB2] =	sst s6  }
0xf: {  	[smem:$0x3FB3] =	sst s7  }
0x10: {  	[smem:$0x3FB4] =	sst s8  }
0x11: {  	[smem:$0x3FB5] =	sst s9;
	s0 =	simm.s32 @!p0 $0x0  }
0x12: {  	s1 =	sld [smem:$0x3F9B];
	s0 =	simm.s32 @p0 $0x1  }
0x13: {  	[smem:$0x3FB6] =	sst s0;
	s0 =	simm.s32 @!p1 $0x0  }
0x14: {  	s2 =	sld [smem:$0x3F9A];
	s0 =	simm.s32 @p1 $0x1  }
0x15: {  	[smem:$0x3FB7] =	sst s0;
	s0 =	simm.s32 @!p2 $0x0  }
0x16: {  	s3 =	sld [smem:$0x3FDB];
	s0 =	simm.s32 @p2 $0x1  }
0x17: {  	s4 =	simm.s32 $0x1BF5;
	[smem:$0x3FB9] =	sst s0  }
0x18: {  	s0 =	sld [smem:$0x3F9C];
	_ =	swait.ge [sflag:s4], $0x0  }
0x19: {  	s7 =	sld [smem:$0x3F9D]  }
0x1a: {  	s8 =	sadd.s32 $0xFFFFE003, lr  }
0x1b: {  	s9 =	sadd.s32 $0xFFFFFEF7, lr;
	s5 =	simm.s32 $0xFFFFFFFF;
	p2 =	slt.u32 s8, $0xFFFFF086  }
0x1c: {  	p1 =	slt.u32 s9, $0xF7A;
	s5 =	simm.s32 @!p2 $0x0  }
0x1d: {  	s5 =	simm.s32 @p1 $0x1;
	p0 =	seq.s32 s7, s2  }
0x1e: {  	s7 =	smul.u32 @!p0 $0xF7A, s2;
	p2 =	seq.s32 @!p0 s5, $0x0  }
0x1f: {  	s9 =	smul.u32 $0xF7A, s1;
	s8 =	simm.s32 @!p0 $0x1BF5;
	p2 =	por !p2, p0  }
0x20: {  	[sflag:s8] =	ssyncset.s32 @!p0 $0xFFFFF086;
	s6 =	sadd.s32 @!p0 s3, s7;
	s7 =	simm.s32 @!p0 $0x108  }
0x21: {  	s3 =	sadd.s32 s3, s9;
	s6 =	sadd.s32 @!p0 $0x88, s6;
	s7 =	simm.s32 @p2 $0x1082  }
0x22: {  	[simem:s7], [sflag:s8] =	dma.local @!p0 [hbm:s6], $0xF7A  }
0x23: {  	s9 =	sor.u32 $0xD0000000, s2;
	s6 =	simm.s32 $0x108;
	_ =	swait.ge @!p0 [sflag:s8], $0x0  }
0x24: {  	s3 =	sadd.s32 $0x88, s3;
	s6 =	simm.s32 @!p1 $0x1082;
	[sflag:s4] =	ssyncset.s32 $0xFFFFF086  }
0x25: {  	[simem:s6], [sflag:s4] =	dma.local [hbm:s3], $0xF7A  }
0x26: {  	[smem:$0x3F9D] =	sst s1;
	(tag) =	ssettag s2;
	_ =	strace s9  }
0x27: {  	s1 =	sld [smem:$0x3FAD]  }
0x28: {  	s2 =	sld [smem:$0x3FAE]  }
0x29: {  	s4 =	sld [smem:$0x3FB0]  }
0x2a: {  	p0 =	seq.s32 s5, $0x0;
	s5 =	sld [smem:$0x3FB1]  }
0x2b: {  	s6 =	sld [smem:$0x3FB2]  }
0x2c: {  	s7 =	sld [smem:$0x3FB3]  }
0x2d: {  	s3 =	simm.s32 $0x108;
	s8 =	sld [smem:$0x3FB4]  }
0x2e: {  	s3 =	simm.s32 @!p0 $0x1082;
	s9 =	sld [smem:$0x3FB5]  }
0x2f: {  	lr =	sadd.s32 s0, s3;
	s0 =	sld [smem:$0x3FAC]  }
0x30: {  	s3 =	sld [smem:$0x3FAF]  }
0x31: {  	[smem:$0x3FB8] =	sst s10  }
0x32: {  	s10 =	sld [smem:$0x3FB6];
	_ =	sdelay $0x3  }
0x33: {  	p0 =	seq.s32 s10, $0x1;
	s10 =	sld [smem:$0x3FB8];
	_ =	sdelay $0x3  }
0x34: {  	[smem:$0x3FB8] =	sst s10  }
0x35: {  	s10 =	sld [smem:$0x3FB7];
	_ =	sdelay $0x3  }
0x36: {  	p1 =	seq.s32 s10, $0x1;
	s10 =	sld [smem:$0x3FB8];
	_ =	sdelay $0x3  }
0x37: {  	[smem:$0x3FB8] =	sst s10  }
0x38: {  	s10 =	sld [smem:$0x3FB9]  }
0x39: {  	_ = 	snop;
	(pc) =	sbr.ind lr, $3  }
0x3a: {  	_ = 	snop  }
0x3b: {  	_ = 	snop  }
0x3c: {  	p2 =	seq.s32 s10, $0x1;
	s10 =	sld [smem:$0x3FB8]  }
0x3d: {  	_ =	shalt  }
0x3e: {  	_ =	shalt  }
0x3f: {  	_ =	shalt  }
0x40: {  	_ =	shalt  }
0x41: {  	_ =	shalt  }
0x42: {  	_ =	shalt  }
0x43: {  	_ =	shalt  }
0x44: {  	_ =	shalt  }
0x45: {  	_ =	shalt  }
0x46: {  	_ =	shalt  }
0x47: {  	_ =	shalt  }
0x48: {  	_ =	shalt  }
0x49: {  	_ =	shalt  }
0x4a: {  	_ =	shalt  }
0x4b: {  	_ =	shalt  }
0x4c: {  	_ =	shalt  }
0x4d: {  	_ =	shalt  }
0x4e: {  	_ =	shalt  }
0x4f: {  	_ =	shalt  }
0x50: {  	_ =	shalt  }
0x51: {  	_ =	shalt  }
0x52: {  	_ =	shalt  }
0x53: {  	_ =	shalt  }
0x54: {  	_ =	shalt  }
0x55: {  	_ =	shalt  }
0x56: {  	_ =	shalt  }
0x57: {  	_ =	shalt  }
0x58: {  	_ =	shalt  }
0x59: {  	_ =	shalt  }
0x5a: {  	_ =	shalt  }
0x5b: {  	_ =	shalt  }
0x5c: {  	_ =	shalt  }
0x5d: {  	_ =	shalt  }
0x5e: {  	_ =	shalt  }
0x5f: {  	_ =	shalt  }
0x60: {  	_ =	shalt  }
0x61: {  	_ =	shalt  }
0x62: {  	_ =	shalt  }
0x63: {  	_ =	shalt  }
0x64: {  	_ =	shalt  }
0x65: {  	_ =	shalt  }
0x66: {  	_ =	shalt  }
0x67: {  	_ =	shalt  }
0x68: {  	_ =	shalt  }
0x69: {  	_ =	shalt  }
0x6a: {  	_ =	shalt  }
0x6b: {  	_ =	shalt  }
0x6c: {  	_ =	shalt  }
0x6d: {  	_ =	shalt  }
0x6e: {  	_ =	shalt  }
0x6f: {  	_ =	shalt  }
0x70: {  	_ =	shalt  }
0x71: {  	_ =	shalt  }
0x72: {  	_ =	shalt  }
0x73: {  	_ =	shalt  }
0x74: {  	_ =	shalt  }
0x75: {  	_ =	shalt  }
0x76: {  	_ =	shalt  }
0x77: {  	_ =	shalt  }
0x78: {  	_ =	shalt  }
0x79: {  	_ =	shalt  }
0x7a: {  	_ =	shalt  }
0x7b: {  	_ =	shalt  }
0x7c: {  	_ =	shalt  }
0x7d: {  	_ =	shalt  }
0x7e: {  	_ =	shalt  }
0x7f: {  	_ =	shalt  }
0x80: {  	_ =	shalt  }
0x81: {  	_ =	shalt  }
0x82: {  	_ =	shalt  }
0x83: {  	_ =	shalt  }
0x84: {  	_ =	shalt  }
0x85: {  	_ =	shalt  }
0x86: {  	_ =	shalt  }
0x87: {  	_ =	shalt  }
.Lfunc_end0:
.L_simem_size_0:
called_computation_lowered:
.L_overlay_start_0:
0x88: {  	s2 =	sld [smem:$0x3FD9]  }
0x89: {  	s3 =	sld [smem:$0x3FFE];
	_ =	sdelay $0x1  }
0x8a: {  	s1 =	srdreg.scid  }
0x8b: {  	s0 =	sand.u32 $0x1, s1  }
0x8c: {  	s17 =	sshll.u32 s0, $0xA;
	s2 =	sadd.s32 s3, s2  }
0x8d: {  	s2 =	sadd.s32 s2, s17  }
0x8e: {  	[smem:$0x3FC4] =	sst s2  }
0x8f: {  	_ = 	snop  }
0x90: {  	s2 =	sld [smem:$0x3FD0];
	(tm) =	ssettm $0x1  }
0x91: {  	s18 =	sld [smem:$0x3FFB];
	_ =	sdelay $0x3  }
0x92: {  	_ =	strace s18  }
0x93: {  	s3 =	sld [smem:$0x3FFC];
	_ =	sdelay $0x3  }
0x94: {  	_ =	strace s3  }
0x95: {  	s3 =	sld [smem:$0x3FFD];
	_ =	sdelay $0x3  }
0x96: {  	_ =	strace s3  }
0x97: {  	_ =	strace $0x8FFFFFFF  }
0x98: {  	s19 =	sld [smem:$0x3FDB];
	_ =	sdelay $0x1  }
0x99: {  	s4 =	simm.s32 $_scs_section_size  }
0x9a: {  	s5 =	simm.s32 $_size__tile_overlayer_lowered;
	s6 =	simm.s32 $_tile_overlayer_lowered  }
0x9b: {  	s22 =	simm.s32 $0x1BFF;
	s21 =	sshll.u32 s6, $0x1;
	s3 =	sadd.s32 s4, s19  }
0x9c: {  	s7 =	simm.s32 $0x0;
	s20 =	sshll.u32 s5, $0x1;
	s5 =	sadd.s32 s21, s3  }
0x9d: {  	[timem:s7], [sflag:s22] =	dma.local [hbm:s5], s20  }
0x9e: {  	_ =	swait.ge [sflag:s22], s20  }
0x9f: {  	s4 =	ssub.s32 $0x0, s20;
	[sflag:s22] =	ssyncset.done $0x0  }
0xa0: {  	[sflag:s22] =	ssyncadd.s32 s4;
	_ =	sdelay $0x1  }
0xa1: {  	s23 =	simm.s32 $0x1B8B  }
0xa2: {  	_ =	swait.ge [sflag:s23], $0x1  }
0xa3: {  	[sflag:s23] =	ssyncset.done $0x0  }
0xa4: {  	s25 =	simm.s32 $0x1B8E;
	s24 =	sld [smem:$0x3FFE];
	[sflag:s23] =	ssyncadd.s32 $0xFFFFFFFF  }
0xa5: {  	s26 =	simm.s32 $execute0_lowered;
	[smem:$0x3FD2] =	sst s25  }
0xa6: {  	s5 =	sshll.u32 s26, $0x1;
	_ =	strace $0x80000046;
	[dreg:$0x1] =	wrdreg $0xFFFFFFFF  }
0xa7: {  	s28 =	simm.s32 $_size_execute0_lowered;
	s3 =	sadd.s32 s3, s5;
	[dreg:$0x0] =	wrdreg $0x0  }
0xa8: {  	s5 =	sshll.u32 s28, $0x1;
	[dreg:$0x2] =	wrdreg s3  }
0xa9: {  	[dreg:$0x3] =	wrdreg s5  }
0xaa: {  	[dreg:$0x4] =	wrdreg $0xC0  }
0xab: {  	_ =	task [dreg:s7], $0x5FFFF  }
0xac: {  	[dreg:$0x1] =	wrdreg $0xFFFFFFFF  }
0xad: {  	[dreg:$0x0] =	wrdreg $0x60  }
0xae: {  	[dreg:$0x2] =	wrdreg s24  }
0xaf: {  	[dreg:$0x3] =	wrdreg s2  }
0xb0: {  	[dreg:$0x4] =	wrdreg $0x67200  }
0xb1: {  	[dreg:$0x5] =	wrdreg $0x9  }
0xb2: {  	_ =	task.clear_ibuf [dreg:s7], $0x6FFFF;
	_ =	strace $0x90000046  }
0xb3: {  	s29 =	simm.s32 $0x9;
	_ =	strace $0x80000048  }
0xb4: {  	_ =	swait.ge [sflag:s29], $0x1  }
0xb5: {  	[sflag:s29] =	ssyncadd.s32 $0xFFFFFFFF  }
0xb6: {  	_ =	strace $0x90000048  }
0xb7: {  	_ =	sfence  }
0xb8: {  	s30 =	sld [smem:$0x0];
	_ =	sdelay $0x2  }
0xb9: {  	s31 =	sshll.u32 s1, $0xD;
	s1 =	sshrl.u32 s1, $0x2  }
0xba: {  	s3 =	sand.u32 $0x4000, s31;
	s1 =	sadd.s32 s1, s30  }
0xbb: {  	s0 =	sor.u32 s3, s0;
	s1 =	sshll.u32 s1, $0x11  }
0xbc: {  	s0 =	sor.u32 s1, s0  }
0xbd: {  	s0 =	sadd.s32 $0x8F2B, s0  }
0xbe: {  	[sflag:s0] =	ssyncadd.remote.s32 $0x1  }
0xbf: {  	_ =	sfence.sel $0xFFFF  }
0xc0: {  	[dreg:$0x0] =	wrdreg $0xFFFFFFFF;
	(pc) =	sbr.abs _section_cstart, $3  }
0xc1: {  	[dreg:$0x1] =	wrdreg $0xFFFFFFFF  }
0xc2: {  	_ =	task.clear_ibuf [dreg:s7], $0x2FFFF;
	_ =	strace $0x9FFFFFFF  }
0xc3: {  	(tm) =	ssettm $0x7FFFFFFF  }
tec
execute0_lowered:
.L_overlay_start_1:
0x0: {  	(tag) =	ssettag $0x1  }
0x1: {  	s5 =	rddreg [dreg:$0x0]  }
0x2: {  	s1 =	rddreg [dreg:$0x1]  }
0x3: {  	s2 =	rddreg [dreg:$0x2];
	s4 =	simm.s32 $0x0  }
0x4: {  	s6 =	srdreg.scid;
	s3 =	stileid.u32;
	s12 =	simm.s32 $0x1000  }
0x5: {  	s13 =	simm.s32 $0x6700;
	s14 =	simm.s32 $0x5;
	s15 =	simm.s32 $0x1  }
0x6: {  	s16 =	simm.s32 $0x2;
	s17 =	simm.s32 $0x6400;
	s18 =	simm.s32 $0x6480  }
0x7: {  	s19 =	simm.s32 $0x100;
	s20 =	simm.s32 $0x6500;
	s21 =	simm.s32 $0x6580  }
0x8: {  	s22 =	simm.s32 $0x3;
	s23 =	simm.s32 $0x4;
	s24 =	simm.s32 $0x6600  }
0x9: {  	s25 =	simm.s32 $0x0;
	[smem:$0x7FF] =	sst s4;
	s6 =	sand.u32 $0x1, s6  }
0xa: {  	s7 =	sshll.u32 s3, $0xD;
	s8 =	sshll.u32 s3, $0x5;
	s30 =	sshll.u32 s3, $0x10  }
0xb: {  	s31 =	sshll.u32 s3, $0x6;
	_ =	strace $0x80000047;
	s9 =	sshll.u32 s6, $0x4  }
.Ltmp0:
0xc: {  	s7 =	sadd.s32 s7, s5;
	s6 =	ssub.s32 $0x2, s6;
	(pc) =	sbr.rel .LBB2_1-.Ltmp0, $4  }
0xd: {  	s11 =	sadd.s32 s30, s2;
	s8 =	sor.u32 s9, s8;
	s29 =	sshrl.u32 s6, $0x1  }
0xe: {  	s8 =	sadd.s32 s8, s5;
	s10 =	ssub.s32 s6, s29;
	s5 =	sadd.s32 $0x19800, s7  }
0xf: {  	s6 =	sor.u32 $0x1C01, s31;
	s7 =	sadd.s32 $0x800, s8;
	s8 =	sadd.s32 $0x39800, s8  }
0x10: {  	s9 =	smax.u32 s10, $0x1;
	s10 =	sshrl.u32 s11, $0x3;
	s11 =	simm.s32 $0x80  }
.LBB2_4:
0x11: {  	v16 =	vld [tilespmem:$0x6700]  }
0x12: {  	v17 =	vld [tilespmem:$0x6710]  }
0x13: {  	v18 =	vld [tilespmem:$0x6700]  }
0x14: {  	v19 =	vld [tilespmem:$0x6710]  }
0x15: {  	v20 =	vld [tilespmem:$0x6700]  }
0x16: {  	v53 =	vld [tilespmem:$0x6710];
	v15 =	vadd.f32 v16, v15  }
0x17: {  	v54 =	vld [tilespmem:$0x6700];
	v13 =	vadd.f32 v17, v13  }
0x18: {  	v55 =	vld [tilespmem:$0x6710];
	v14 =	vadd.f32 v18, v14;
	[tilespmem:$0x6600] =	vst v15  }
0x19: {  	v56 =	vld [tilespmem:$0x6700];
	v11 =	vadd.f32 v19, v11;
	[tilespmem:$0x6680] =	vst v13  }
0x1a: {  	v57 =	vld [tilespmem:$0x6710];
	v12 =	vadd.f32 v20, v12;
	[tilespmem:$0x6610] =	vst v14  }
0x1b: {  	v58 =	vld [tilespmem:$0x6700];
	v9 =	vadd.f32 v53, v9;
	[tilespmem:$0x6690] =	vst v11  }
0x1c: {  	v59 =	vld [tilespmem:$0x6710];
	v10 =	vadd.f32 v54, v10;
	[tilespmem:$0x6620] =	vst v12  }
0x1d: {  	v60 =	vld [tilespmem:$0x6700];
	v7 =	vadd.f32 v55, v7;
	[tilespmem:$0x66A0] =	vst v9  }
0x1e: {  	v61 =	vld [tilespmem:$0x6710];
	v8 =	vadd.f32 v56, v8;
	[tilespmem:$0x6630] =	vst v10  }
0x1f: {  	v62 =	vld [tilespmem:$0x6700];
	v5 =	vadd.f32 v57, v5;
	[tilespmem:$0x66B0] =	vst v7  }
0x20: {  	v63 =	vld [tilespmem:$0x6710];
	v6 =	vadd.f32 v58, v6;
	[tilespmem:$0x6640] =	vst v8  }
0x21: {  	v3 =	vadd.f32 v59, v3;
	[tilespmem:$0x66C0] =	vst v5  }
0x22: {  	v4 =	vadd.f32 v60, v4;
	[tilespmem:$0x6650] =	vst v6  }
0x23: {  	v1 =	vadd.f32 v61, v1;
	[tilespmem:$0x66D0] =	vst v3  }
0x24: {  	v2 =	vadd.f32 v62, v2;
	[tilespmem:$0x6660] =	vst v4  }
0x25: {  	s25 =	sadd.s32 $0x1, s25;
	v0 =	vadd.f32 v63, v0;
	[tilespmem:$0x66E0] =	vst v1  }
0x26: {  	p0 =	sne.s32 s25, s9;
	[tilespmem:$0x6670] =	vst v2  }
.Ltmp1:
0x27: {  	[tilespmem:$0x66F0] =	vst v0;
	(pc) =	sbr.rel @!p0 .LBB2_5-.Ltmp1, $4  }
0x28: {  	[hbm4b:s8+s11] =	stream.strided.scatter [tilespmem:s24], [sflag:$0x5], $0x100, s12, s11, $0x38;
	[tilespmem:$0x16720] =	vst v63  }
0x29: {  	_ =	swait.ge [sflag:s14], $0x100  }
0x2a: {  	[sflag:s14] =	ssyncset.done $0x0  }
0x2b: {  	[sflag:s14] =	ssyncadd.s32 $0xFFFFFF00  }
.LBB2_1:
0x2c: {  	[spmem:s10], [sflag:s6] =	dma.local [hbm:s5], $0x2000  }
0x2d: {  	[tilespmem:s4], [sflag:$0x2] =	stream.strided.gather [hbm4b:s7+s11], $0x6400, s12, s11, $0x38;
	[tilespmem:$0x16720] =	vst v63  }
0x2e: {  	_ = 	snop  }
0x2f: {  	[tilespmem:s13], [sflag:$0x5] =	stream.linear.gather [hbm4b:s1+s4], $0x20, $0x38;
	[tilespmem:$0x16720] =	vst v63  }
0x30: {  	_ =	swait.ge [sflag:s14], $0x20  }
0x31: {  	[sflag:s14] =	ssyncset.done $0x0  }
0x32: {  	[sflag:s14] =	ssyncadd.s32 $0xFFFFFFE0  }
0x33: {  	_ =	swait.ge [sflag:s15], $0x2000  }
0x34: {  	[sflag:s15] =	ssyncset.done $0x0  }
0x35: {  	[sflag:s15] =	ssyncadd.s32 $0xFFFFE000  }
0x36: {  	_ =	swait.ge [sflag:s16], $0x6400  }
0x37: {  	[sflag:s16] =	ssyncset.done $0x0  }
0x38: {  	[sflag:s16] =	ssyncadd.s32 $0xFFFF9C00  }
0x39: {  	v0 =	vimm.f32 $0.0e+00;
	[bflag:$0x0] =	sbarrier.arrive $0xFFFF  }
0x3a: {  	v1 =	vimm.f32 $0.0e+00;
	v3 =	vimm.f32 $0.0e+00;
	v5 =	vimm.f32 $0.0e+00;
	[tilespmem:s17], [sflag:$0x1] =	stream.indirect.gather [spmem:s2], $0x1, s4, s11, $0xb8;
	[tilespmem:$0x16720] =	vst v63  }
0x3b: {  	v7 =	vimm.f32 $0.0e+00;
	v9 =	vimm.f32 $0.0e+00;
	v11 =	vimm.f32 $0.0e+00  }
0x3c: {  	v13 =	vimm.f32 $0.0e+00;
	v2 =	vimm.f32 $0.0e+00;
	v4 =	vimm.f32 $0.0e+00;
	[tilespmem:s18], [sflag:$0x2] =	stream.indirect.gather [spmem:s2], $0x1, s11, s11, $0xb8;
	[tilespmem:$0x16720] =	vst v63  }
0x3d: {  	v6 =	vimm.f32 $0.0e+00;
	v8 =	vimm.f32 $0.0e+00;
	v10 =	vimm.f32 $0.0e+00;
	s26 =	simm.s32 $0xFFFE7800  }
0x3e: {  	v12 =	vimm.f32 $0.0e+00;
	v14 =	vimm.f32 $0.0e+00;
	v15 =	vimm.f32 $0.0e+00;
	[tilespmem:s20], [sflag:$0x3] =	stream.indirect.gather [spmem:s2], $0x1, s19, s11, $0xb8;
	[tilespmem:$0x16720] =	vst v63  }
.LBB2_2:
0x3f: {  	_ =	swait.ge [sflag:s15], $0x80  }
0x40: {  	[sflag:s15] =	ssyncset.done $0x0  }
0x41: {  	[sflag:s15] =	ssyncadd.s32 $0xFFFFFF80  }
0x42: {  	v16 =	vld [tilespmem:$0x6400]  }
0x43: {  	v17 =	vld [tilespmem:$0x6410]  }
0x44: {  	v18 =	vld [tilespmem:$0x6420]  }
0x45: {  	v19 =	vld [tilespmem:$0x6430]  }
0x46: {  	v20 =	vld [tilespmem:$0x6440]  }
0x47: {  	s28 =	sshra.s32 s26, $0x2;
	v22 =	vld [tilespmem:$0x6460]  }
0x48: {  	s29 =	sadd.s32 $0x6380, s28;
	v23 =	vld [tilespmem:$0x6470]  }
0x49: {  	v21 =	vld [tilespmem:$0x6450];
	[tilespmem:s21], [sflag:$0x4] =	stream.indirect.gather [spmem:s2], $0x1, s29, s11, $0xb8  }
0x4a: {  	_ =	swait.ge [sflag:s16], $0x80;
	v24 =	vshll.u32 v16, $0x10;
	v16 =	vand.u32 $0xFFFF0000, v16;
	v34 =	vshll.u32 v19, $0x10  }
0x4b: {  	[sflag:s16] =	ssyncset.done $0x0;
	v37 =	vand.u32 $0xFFFF0000, v20;
	v13 =	vadd.f32 v16, v13;
	v16 =	vshll.u32 v17, $0x10  }
0x4c: {  	[sflag:s16] =	ssyncadd.s32 $0xFFFFFF80;
	v40 =	vshll.u32 v22, $0x10;
	v14 =	vadd.f32 v16, v14;
	v16 =	vshll.u32 v18, $0x10  }
0x4d: {  	v35 =	vld [tilespmem:$0x6490];
	v42 =	vand.u32 $0xFFFF0000, v23;
	v12 =	vadd.f32 v16, v12;
	v16 =	vand.u32 $0xFFFF0000, v18  }
0x4e: {  	v36 =	vld [tilespmem:$0x64A0];
	v17 =	vand.u32 $0xFFFF0000, v17;
	v9 =	vadd.f32 v16, v9;
	v16 =	vand.u32 $0xFFFF0000, v19  }
0x4f: {  	v11 =	vadd.f32 v17, v11;
	v17 =	vld [tilespmem:$0x6480];
	v7 =	vadd.f32 v16, v7;
	v16 =	vshll.u32 v20, $0x10  }
0x50: {  	v39 =	vld [tilespmem:$0x64C0];
	v15 =	vadd.f32 v24, v15;
	v8 =	vadd.f32 v16, v8;
	v16 =	vshll.u32 v21, $0x10  }
0x51: {  	p0 =	seq.s32 s26, $0x0;
	v25 =	vld [tilespmem:$0x64D0];
	v10 =	vadd.f32 v34, v10;
	v6 =	vadd.f32 v16, v6;
	v16 =	vand.u32 $0xFFFF0000, v21  }
0x52: {  	s29 =	sshra.s32 @!p0 s26, $0x2;
	v38 =	vld [tilespmem:$0x64B0];
	v5 =	vadd.f32 v37, v5;
	v3 =	vadd.f32 v16, v3;
	v16 =	vand.u32 $0xFFFF0000, v22  }
0x53: {  	s31 =	simm.s32 @!p0 $0x80;
	s0 =	simm.s32 @!p0 $0x6400;
	s30 =	sadd.s32 @!p0 $0x6400, s29;
	v41 =	vld [tilespmem:$0x64E0];
	v4 =	vadd.f32 v40, v4;
	v1 =	vadd.f32 v16, v1;
	v16 =	vshll.u32 v23, $0x10  }
0x54: {  	v43 =	vld [tilespmem:$0x64F0];
	v0 =	vadd.f32 v42, v0;
	[tilespmem:s0], [sflag:$0x1] =	stream.indirect.gather @!p0 [spmem:s2], $0x1, s30, s31, $0xb8;
	v2 =	vadd.f32 v16, v2;
	v16 =	vshll.u32 v17, $0x10  }
0x55: {  	_ =	swait.ge [sflag:s22], $0x80;
	v44 =	vshll.u32 v39, $0x10;
	v15 =	vadd.f32 v16, v15;
	v16 =	vand.u32 $0xFFFF0000, v17  }
0x56: {  	[sflag:s22] =	ssyncset.done $0x0;
	v47 =	vand.u32 $0xFFFF0000, v25;
	v13 =	vadd.f32 v16, v13;
	v16 =	vand.u32 $0xFFFF0000, v35  }
0x57: {  	[sflag:s22] =	ssyncadd.s32 $0xFFFFFF80;
	v17 =	vshll.u32 v35, $0x10;
	v11 =	vadd.f32 v16, v11;
	v16 =	vshll.u32 v36, $0x10  }
0x58: {  	v51 =	vld [tilespmem:$0x6550];
	v14 =	vadd.f32 v17, v14;
	v12 =	vadd.f32 v16, v12;
	v16 =	vshll.u32 v38, $0x10  }
0x59: {  	v52 =	vld [tilespmem:$0x6560];
	v17 =	vand.u32 $0xFFFF0000, v36;
	v10 =	vadd.f32 v16, v10;
	v16 =	vand.u32 $0xFFFF0000, v38  }
0x5a: {  	v9 =	vadd.f32 v17, v9;
	v17 =	vld [tilespmem:$0x6500];
	v7 =	vadd.f32 v16, v7;
	v16 =	vand.u32 $0xFFFF0000, v39  }
0x5b: {  	v50 =	vshll.u32 v43, $0x10;
	v45 =	vld [tilespmem:$0x6510];
	v5 =	vadd.f32 v16, v5;
	v16 =	vshll.u32 v25, $0x10  }
0x5c: {  	v8 =	vadd.f32 v44, v8;
	v6 =	vadd.f32 v16, v6;
	v16 =	vshll.u32 v41, $0x10  }
0x5d: {  	v46 =	vld [tilespmem:$0x6520];
	v3 =	vadd.f32 v47, v3;
	v4 =	vadd.f32 v16, v4;
	v16 =	vand.u32 $0xFFFF0000, v41  }
0x5e: {  	v48 =	vld [tilespmem:$0x6530];
	v54 =	vshll.u32 v51, $0x10;
	v1 =	vadd.f32 v16, v1;
	v16 =	vand.u32 $0xFFFF0000, v43  }
0x5f: {  	s0 =	sadd.s32 @!p0 $0x6480, s29;
	s29 =	simm.s32 @!p0 $0x6480;
	v49 =	vld [tilespmem:$0x6540];
	v56 =	vand.u32 $0xFFFF0000, v52;
	v0 =	vadd.f32 v16, v0;
	v16 =	vshll.u32 v17, $0x10  }
0x60: {  	v53 =	vld [tilespmem:$0x6570];
	[tilespmem:s29], [sflag:$0x2] =	stream.indirect.gather @!p0 [spmem:s2], $0x1, s0, s31, $0xb8;
	v17 =	vand.u32 $0xFFFF0000, v17;
	v15 =	vadd.f32 v16, v15;
	v16 =	vshll.u32 v45, $0x10  }
0x61: {  	_ =	swait.ge [sflag:s23], $0x80;
	v13 =	vadd.f32 v17, v13;
	v14 =	vadd.f32 v16, v14;
	v16 =	vand.u32 $0xFFFF0000, v45  }
0x62: {  	[sflag:s23] =	ssyncset.done $0x0;
	v17 =	vshll.u32 v46, $0x10;
	v11 =	vadd.f32 v16, v11;
	v16 =	vand.u32 $0xFFFF0000, v46  }
0x63: {  	[sflag:s23] =	ssyncadd.s32 $0xFFFFFF80;
	v12 =	vadd.f32 v17, v12;
	v9 =	vadd.f32 v16, v9;
	v16 =	vshll.u32 v48, $0x10  }
0x64: {  	v55 =	vld [tilespmem:$0x6590];
	v17 =	vand.u32 $0xFFFF0000, v48;
	v10 =	vadd.f32 v16, v10;
	v16 =	vshll.u32 v49, $0x10  }
0x65: {  	v7 =	vadd.f32 v17, v7;
	v17 =	vld [tilespmem:$0x6580];
	v8 =	vadd.f32 v16, v8;
	v16 =	vand.u32 $0xFFFF0000, v49  }
0x66: {  	v2 =	vadd.f32 v50, v2;
	v58 =	vld [tilespmem:$0x65B0];
	v5 =	vadd.f32 v16, v5;
	v16 =	vand.u32 $0xFFFF0000, v51  }
0x67: {  	v57 =	vld [tilespmem:$0x65A0];
	v6 =	vadd.f32 v54, v6;
	v3 =	vadd.f32 v16, v3;
	v16 =	vshll.u32 v52, $0x10  }
0x68: {  	v1 =	vadd.f32 v56, v1;
	v4 =	vadd.f32 v16, v4;
	v16 =	vshll.u32 v53, $0x10  }
0x69: {  	v18 =	vand.u32 $0xFFFF0000, v55;
	v2 =	vadd.f32 v16, v2;
	v16 =	vand.u32 $0xFFFF0000, v53  }
0x6a: {  	v59 =	vshll.u32 v17, $0x10;
	v0 =	vadd.f32 v16, v0;
	v16 =	vand.u32 $0xFFFF0000, v17;
	v17 =	vld [tilespmem:$0x65C0]  }
0x6b: {  	v60 =	vld [tilespmem:$0x65D0];
	v62 =	vshll.u32 v58, $0x10;
	v13 =	vadd.f32 v16, v13;
	v16 =	vshll.u32 v55, $0x10  }
0x6c: {  	v61 =	vld [tilespmem:$0x65E0];
	v11 =	vadd.f32 v18, v11;
	v14 =	vadd.f32 v16, v14;
	v16 =	vshll.u32 v57, $0x10  }
0x6d: {  	v10 =	vadd.f32 v62, v10;
	v12 =	vadd.f32 v16, v12;
	v16 =	vand.u32 $0xFFFF0000, v57  }
0x6e: {  	v63 =	vld [tilespmem:$0x65F0];
	v15 =	vadd.f32 v59, v15;
	v9 =	vadd.f32 v16, v9;
	v16 =	vand.u32 $0xFFFF0000, v58  }
0x6f: {  	v7 =	vadd.f32 v16, v7;
	v16 =	vshll.u32 v17, $0x10;
	v17 =	vand.u32 $0xFFFF0000, v17  }
.Ltmp2:
0x70: {  	v8 =	vadd.f32 v16, v8;
	v5 =	vadd.f32 v17, v5;
	v16 =	vshll.u32 v60, $0x10;
	(pc) =	sbr.rel @p0 .LBB2_4-.Ltmp2, $4  }
0x71: {  	v17 =	vshll.u32 v61, $0x10;
	v6 =	vadd.f32 v16, v6;
	v16 =	vand.u32 $0xFFFF0000, v60  }
0x72: {  	v4 =	vadd.f32 v17, v4;
	v3 =	vadd.f32 v16, v3;
	v16 =	vand.u32 $0xFFFF0000, v61  }
0x73: {  	v17 =	vand.u32 $0xFFFF0000, v63;
	v1 =	vadd.f32 v16, v1;
	v16 =	vshll.u32 v63, $0x10  }
0x74: {  	v0 =	vadd.f32 v17, v0;
	v2 =	vadd.f32 v16, v2  }
.Ltmp3:
0x75: {  	(pc) =	sbr.rel .LBB2_2-.Ltmp3, $3  }
0x76: {  	_ =	sdelay $0x1  }
0x77: {  	s0 =	sadd.s32 $0x6500, s28;
	s26 =	sadd.s32 $0x800, s26  }
0x78: {  	[tilespmem:s20], [sflag:$0x3] =	stream.indirect.gather [spmem:s2], $0x1, s0, s11, $0xb8;
	[tilespmem:$0x16720] =	vst v63  }
.LBB2_5:
0x79: {  	_ =	sfence.sel $0x180000  }
0x7a: {  	[bflag:$0x0] =	sbarrier.arrive $0xFFFF  }
0x7b: {  	_ =	strace $0x90000047  }
0x7c: {  	[bflag:$0x2] =	sbarrier.arrive $0xFFFF  }
0x7d: {  	p0 =	sne.s32 s3, $0x0;
	s0 =	rddreg [dreg:$0x3]  }
0x7e: {  	s0 =	sadd.s32 @!p0 $0x100000, s0  }
0x7f: {  	[sflag:s0] =	ssyncadd.tile.s32 @!p0 $0x1;
	_ =	shalt  }
.Lfunc_end2:
_tile_overlayer_lowered:
.L_overlay_start_2:
0x80: {  	(tag) =	ssettag $0x2  }
0x81: {  	s0 =	rddreg [dreg:$0x0];
	s2 =	stileid.u32  }
0x82: {  	s1 =	rddreg [dreg:$0x1];
	p0 =	sne.s32 s2, $0x0  }
0x83: {  	s3 =	rddreg [dreg:$0x2];
	[bflag:$0x3] =	sbarrier.arrive $0xFFFF;
	s2 =	simm.s32 @!p0 $0x1C05  }
0x84: {  	[timem:s3], [sflag:s2] =	dma.local @!p0 [hbm:s0], s1  }
0x85: {  	s0 =	simm.s32 @!p0 $0x5  }
0x86: {  	_ =	swait.ge @!p0 [sflag:s0], s1  }
0x87: {  	s1 =	ssub.s32 @!p0 $0x0, s1;
	[sflag:s0] =	ssyncset.done @!p0 $0x0  }
0x88: {  	[sflag:s0] =	ssyncadd.s32 @!p0 s1  }
0x89: {  	[bflag:$0x3] =	sbarrier.arrive $0xFFFF  }
0x8a: {  	_ =	shalt  }

</sc_bundles>
